<compile_context>
chip_gen: v7x
topology: tpu7x:2x2x1
jax: 0.10.2.dev20260603
libtpu: 0.0.44.dev20260713+nightly
codegen_flags: <defaults>
</compile_context>

<pallas_src>
import functools

import jax
import jax.numpy as jnp
from jax import lax
from jax.experimental import pallas as pl
from jax.experimental.pallas import tpu as pltpu
from jax.experimental.pallas import tpu_sc as plsc

NUM_OCTETS = 4
EMB = 32
VOCAB = 256
LANES = 16
NUM_CORES = 2
NUM_SUBCORES = 16
NUM_WORKERS = NUM_CORES * NUM_SUBCORES
IDX_CHUNK = 128


def _fold_tables_body(tables_ref, wt_ref, bias_ref, out_ref):
    w0 = wt_ref[0]
    w1 = wt_ref[1]
    w2 = wt_ref[2]
    m_first = (w0 + w1) * 0.25
    m_mid = (w0 + w1 + w2) * 0.25
    m_last = (w1 + w2) * 0.25
    b4 = bias_ref[...] * 0.25
    mats = (m_first, m_mid, m_mid, m_last)
    for j in range(NUM_OCTETS):
        prod = jnp.dot(tables_ref[j], mats[j], preferred_element_type=jnp.float32)
        out_ref[j * VOCAB:(j + 1) * VOCAB, :] = prod + b4


def _fold_tables(tables, conv_w, conv_b):
    wt = jnp.transpose(conv_w, (2, 1, 0))
    bias_row = conv_b.reshape(1, EMB)
    return pl.pallas_call(
        _fold_tables_body,
        out_shape=jax.ShapeDtypeStruct((NUM_OCTETS * VOCAB, EMB), jnp.float32),
    )(tables, wt, bias_row)


def _make_sc_lookup(batch):
    bpw = batch // NUM_WORKERS
    xpw = bpw * NUM_OCTETS
    jb = bpw // LANES
    n_chunks = bpw // IDX_CHUNK
    mesh = plsc.VectorSubcoreMesh(core_axis_name="c", subcore_axis_name="s")

    @functools.partial(
        pl.kernel,
        mesh=mesh,
        out_type=jax.ShapeDtypeStruct((batch, EMB), jnp.float32),
        scratch_types=[
            pltpu.VMEM((xpw,), jnp.int32),
            pltpu.VMEM((xpw,), jnp.int32),
            pltpu.VMEM((bpw, EMB), jnp.float32),
            pltpu.SemaphoreType.DMA,
            pltpu.SemaphoreType.DMA,
        ],
        compiler_params=pltpu.CompilerParams(
            use_tc_tiling_on_sc=False, needs_layout_passes=False),
    )
    def sc_lookup(table_hbm, xt_hbm, out_hbm, xv, idx_v, slab, sem, sem2):
        wid = lax.axis_index("s") * NUM_CORES + lax.axis_index("c")
        base = wid * bpw

        for j in range(NUM_OCTETS):
            pltpu.sync_copy(xt_hbm.at[j, pl.ds(base, bpw)],
                            xv.at[pl.ds(j * bpw, bpw)])

        def build_octet(j):
            for blk in range(jb):
                sl = pl.ds(j * bpw + blk * LANES, LANES)
                idx_v[sl] = xv[sl] + j * VOCAB

        def fire(j, c, s, add):
            return pltpu.async_copy(
                table_hbm.at[idx_v.at[pl.ds(j * bpw + c * IDX_CHUNK, IDX_CHUNK)]],
                slab.at[pl.ds(c * IDX_CHUNK, IDX_CHUNK)],
                s,
                add=add,
            )

        build_octet(0)
        first = [fire(0, c, sem, add=False) for c in range(n_chunks)]
        for j in range(1, NUM_OCTETS):
            build_octet(j)
        rest = []
        for c in range(n_chunks):
            first[c].wait()
            for j in range(1, NUM_OCTETS):
                rest.append(fire(j, c, sem2, add=True))
        for cp in rest:
            cp.wait()

        pltpu.sync_copy(slab, out_hbm.at[pl.ds(base, bpw)])

    return sc_lookup


def kernel(x, tables, conv_w, conv_b):
    batch = x.shape[0]
    table = _fold_tables(tables, conv_w, conv_b)
    xt = x.astype(jnp.int32).T
    return _make_sc_lookup(batch)(table, xt)

# --- scband reference (transcript-rebuilt; emitter-appended) ---
"""Pipeline reference for scband-address-embedding-29523605192956 (READ-ONLY COPY).

The authoritative reference and input builder live on the scoring server;
editing this copy changes nothing except your own understanding.
"""

import jax, jax.numpy as jnp
import numpy as np

NUM_OCTETS = 4
EMB_DIM = 32
BATCH = 16384


def setup_inputs(seed: int = 0) -> dict:
    key = jax.random.key(seed)
    k_x, k_t, k_w, k_b = jax.random.split(key, 4)
    x = jax.random.randint(k_x, (BATCH, NUM_OCTETS), 0, 256, dtype=jnp.int64 if jax.config.jax_enable_x64 else jnp.int32)
    # one embedding table per octet, stacked: [num_octets, 256, emb_dim]
    tables = jax.random.normal(k_t, (NUM_OCTETS, 256, EMB_DIM), dtype=jnp.float32) * 0.05
    # Conv1d(emb_dim -> emb_dim, kernel=3, padding=1): weight [out, in, k], bias [out]
    conv_w = jax.random.normal(k_w, (EMB_DIM, EMB_DIM, 3), dtype=jnp.float32) * 0.05
    conv_b = jax.random.normal(k_b, (EMB_DIM,), dtype=jnp.float32) * 0.05
    return {"x": x, "tables": tables, "conv_w": conv_w, "conv_b": conv_b}


def reference(x, tables, conv_w, conv_b):
    # per-octet embedding lookup (gather), then stack: [B, num_octets, emb_dim]
    embedded_octets = [jnp.take(tables[i], x[:, i], axis=0) for i in range(NUM_OCTETS)]
    h = jnp.stack(embedded_octets, axis=1)
    # permute to [B, emb_dim, num_octets] (NCW)
    h = jnp.transpose(h, (0, 2, 1))
    # Conv1d kernel_size=3 padding=1
    out = jax.lax.conv_general_dilated(
        h, conv_w,
        window_strides=(1,),
        padding=((1, 1),),
        dimension_numbers=('NCH', 'OIH', 'NCH'),
    )
    out = out + conv_b[None, :, None]
    # mean over sequence (octet) dim -> [B, emb_dim]
    return jnp.mean(out, axis=2)

if __name__ == "__main__":
    import jax
    _d = setup_inputs()
    print(jax.jit(kernel)(*tuple(_d.values())))

</pallas_src>

<mosaic_0001>
#map = affine_map<(d0, d1) -> (0, 0)>
module attributes {stable_mosaic.version = 14 : i64} {
  func.func @sc_lookup(%arg0: i32, %arg1: i32, %arg2: memref<1024x32xf32, #tpu.memory_space<hbm>>, %arg3: memref<4x16384xi32, #tpu.memory_space<hbm>>, %arg4: memref<16384x32xf32, #tpu.memory_space<hbm>>, %arg5: memref<2048xi32, #tpu.memory_space<vmem>>, %arg6: memref<2048xi32, #tpu.memory_space<vmem>>, %arg7: memref<512x32xf32, #tpu.memory_space<vmem>>, %arg8: memref<!tpu.dma_semaphore, #tpu.memory_space<semaphore_mem>>, %arg9: memref<!tpu.dma_semaphore, #tpu.memory_space<semaphore_mem>>) attributes {dimension_semantics = [#tpu.dimension_semantics<core_parallel>, #tpu.dimension_semantics<subcore_parallel>], iteration_bounds = array<i64: 2, 16>, scalar_prefetch = 0 : i64, scratch_operands = 5 : i64, tpu.core_type = #tpu.core_type<sc_vector_subcore>, window_params = [{transform_indices = #map}, {transform_indices = #map}, {transform_indices = #map}]} {
    %mul3A = arith.constant 2 : i32
    %mul3A_0 = arith.muli %arg1, %mul3A : i32
    %add3A = arith.addi %mul3A_0, %arg0 : i32
    %mul3A_1 = arith.constant 512 : i32
    %mul3A_2 = arith.muli %add3A, %mul3A_1 : i32
    %run_scoped3A = arith.constant 0 : i32
    "tpu.region"() ({
      %run_scoped3A_1154 = tpu.sem_alloc : memref<!tpu.dma_semaphore, #tpu.memory_space<semaphore_mem>>
      %dma_start3A_1155 = arith.constant 0 : i32
      %dma_start3A_1156 = tpu.memref_slice %arg5[%dma_start3A_1155] : memref<2048xi32, #tpu.memory_space<vmem>> -> memref<512xi32, #tpu.memory_space<vmem>>
      %dma_start3A_1157 = tpu.memref_slice %arg3[%run_scoped3A, %mul3A_2] : memref<4x16384xi32, #tpu.memory_space<hbm>> -> memref<1x512xi32, #tpu.memory_space<hbm>>
      %dma_start3A_1158 = tpu.memref_squeeze %dma_start3A_1157 : memref<1x512xi32, #tpu.memory_space<hbm>> -> memref<512xi32, #tpu.memory_space<hbm>>
      %dma_start3A_1159 = arith.constant 0 : i32
      %dma_start3A_1160 = tpu.memref_slice %arg5[%dma_start3A_1159] : memref<2048xi32, #tpu.memory_space<vmem>> -> memref<512xi32, #tpu.memory_space<vmem>>
      %dma_start3A_1161 = tpu.memref_slice %arg3[%run_scoped3A, %mul3A_2] : memref<4x16384xi32, #tpu.memory_space<hbm>> -> memref<1x512xi32, #tpu.memory_space<hbm>>
      %dma_start3A_1162 = tpu.memref_squeeze %dma_start3A_1161 : memref<1x512xi32, #tpu.memory_space<hbm>> -> memref<512xi32, #tpu.memory_space<hbm>>
      tpu.enqueue_dma source(%dma_start3A_1162 : memref<512xi32, #tpu.memory_space<hbm>>) target(%dma_start3A_1160 : memref<512xi32, #tpu.memory_space<vmem>>) target_semaphore(%run_scoped3A_1154 : memref<!tpu.dma_semaphore, #tpu.memory_space<semaphore_mem>>)
      %dma_wait3A_1163 = arith.constant 0 : i32
      %dma_wait3A_1164 = tpu.memref_slice %arg5[%dma_wait3A_1163] : memref<2048xi32, #tpu.memory_space<vmem>> -> memref<512xi32, #tpu.memory_space<vmem>>
      %dma_wait3A_1165 = tpu.memref_slice %arg3[%run_scoped3A, %mul3A_2] : memref<4x16384xi32, #tpu.memory_space<hbm>> -> memref<1x512xi32, #tpu.memory_space<hbm>>
      %dma_wait3A_1166 = tpu.memref_squeeze %dma_wait3A_1165 : memref<1x512xi32, #tpu.memory_space<hbm>> -> memref<512xi32, #tpu.memory_space<hbm>>
      %dma_wait3A_1167 = arith.constant 0 : i32
      %dma_wait3A_1168 = tpu.memref_slice %arg5[%dma_wait3A_1167] : memref<2048xi32, #tpu.memory_space<vmem>> -> memref<512xi32, #tpu.memory_space<vmem>>
      %dma_wait3A_1169 = tpu.memref_slice %arg3[%run_scoped3A, %mul3A_2] : memref<4x16384xi32, #tpu.memory_space<hbm>> -> memref<1x512xi32, #tpu.memory_space<hbm>>
      %dma_wait3A_1170 = tpu.memref_squeeze %dma_wait3A_1169 : memref<1x512xi32, #tpu.memory_space<hbm>> -> memref<512xi32, #tpu.memory_space<hbm>>
      tpu.wait_dma2 semaphore(%run_scoped3A_1154 : memref<!tpu.dma_semaphore, #tpu.memory_space<semaphore_mem>>) src(%dma_wait3A_1170 : memref<512xi32, #tpu.memory_space<hbm>>) dst(%dma_wait3A_1168 : memref<512xi32, #tpu.memory_space<vmem>>)
      tpu.yield
    }) : () -> ()
    %run_scoped3A_3 = arith.constant 1 : i32
    "tpu.region"() ({
      %run_scoped3A_1154 = tpu.sem_alloc : memref<!tpu.dma_semaphore, #tpu.memory_space<semaphore_mem>>
      %dma_start3A_1155 = arith.constant 512 : i32
      %dma_start3A_1156 = tpu.memref_slice %arg5[%dma_start3A_1155] : memref<2048xi32, #tpu.memory_space<vmem>> -> memref<512xi32, #tpu.memory_space<vmem>>
      %dma_start3A_1157 = tpu.memref_slice %arg3[%run_scoped3A_3, %mul3A_2] : memref<4x16384xi32, #tpu.memory_space<hbm>> -> memref<1x512xi32, #tpu.memory_space<hbm>>
      %dma_start3A_1158 = tpu.memref_squeeze %dma_start3A_1157 : memref<1x512xi32, #tpu.memory_space<hbm>> -> memref<512xi32, #tpu.memory_space<hbm>>
      %dma_start3A_1159 = arith.constant 512 : i32
      %dma_start3A_1160 = tpu.memref_slice %arg5[%dma_start3A_1159] : memref<2048xi32, #tpu.memory_space<vmem>> -> memref<512xi32, #tpu.memory_space<vmem>>
      %dma_start3A_1161 = tpu.memref_slice %arg3[%run_scoped3A_3, %mul3A_2] : memref<4x16384xi32, #tpu.memory_space<hbm>> -> memref<1x512xi32, #tpu.memory_space<hbm>>
      %dma_start3A_1162 = tpu.memref_squeeze %dma_start3A_1161 : memref<1x512xi32, #tpu.memory_space<hbm>> -> memref<512xi32, #tpu.memory_space<hbm>>
      tpu.enqueue_dma source(%dma_start3A_1162 : memref<512xi32, #tpu.memory_space<hbm>>) target(%dma_start3A_1160 : memref<512xi32, #tpu.memory_space<vmem>>) target_semaphore(%run_scoped3A_1154 : memref<!tpu.dma_semaphore, #tpu.memory_space<semaphore_mem>>)
      %dma_wait3A_1163 = arith.constant 512 : i32
      %dma_wait3A_1164 = tpu.memref_slice %arg5[%dma_wait3A_1163] : memref<2048xi32, #tpu.memory_space<vmem>> -> memref<512xi32, #tpu.memory_space<vmem>>
      %dma_wait3A_1165 = tpu.memref_slice %arg3[%run_scoped3A_3, %mul3A_2] : memref<4x16384xi32, #tpu.memory_space<hbm>> -> memref<1x512xi32, #tpu.memory_space<hbm>>
      %dma_wait3A_1166 = tpu.memref_squeeze %dma_wait3A_1165 : memref<1x512xi32, #tpu.memory_space<hbm>> -> memref<512xi32, #tpu.memory_space<hbm>>
      %dma_wait3A_1167 = arith.constant 512 : i32
      %dma_wait3A_1168 = tpu.memref_slice %arg5[%dma_wait3A_1167] : memref<2048xi32, #tpu.memory_space<vmem>> -> memref<512xi32, #tpu.memory_space<vmem>>
      %dma_wait3A_1169 = tpu.memref_slice %arg3[%run_scoped3A_3, %mul3A_2] : memref<4x16384xi32, #tpu.memory_space<hbm>> -> memref<1x512xi32, #tpu.memory_space<hbm>>
      %dma_wait3A_1170 = tpu.memref_squeeze %dma_wait3A_1169 : memref<1x512xi32, #tpu.memory_space<hbm>> -> memref<512xi32, #tpu.memory_space<hbm>>
      tpu.wait_dma2 semaphore(%run_scoped3A_1154 : memref<!tpu.dma_semaphore, #tpu.memory_space<semaphore_mem>>) src(%dma_wait3A_1170 : memref<512xi32, #tpu.memory_space<hbm>>) dst(%dma_wait3A_1168 : memref<512xi32, #tpu.memory_space<vmem>>)
      tpu.yield
    }) : () -> ()
    %run_scoped3A_4 = arith.constant 2 : i32
    "tpu.region"() ({
      %run_scoped3A_1154 = tpu.sem_alloc : memref<!tpu.dma_semaphore, #tpu.memory_space<semaphore_mem>>
      %dma_start3A_1155 = arith.constant 1024 : i32
      %dma_start3A_1156 = tpu.memref_slice %arg5[%dma_start3A_1155] : memref<2048xi32, #tpu.memory_space<vmem>> -> memref<512xi32, #tpu.memory_space<vmem>>
      %dma_start3A_1157 = tpu.memref_slice %arg3[%run_scoped3A_4, %mul3A_2] : memref<4x16384xi32, #tpu.memory_space<hbm>> -> memref<1x512xi32, #tpu.memory_space<hbm>>
      %dma_start3A_1158 = tpu.memref_squeeze %dma_start3A_1157 : memref<1x512xi32, #tpu.memory_space<hbm>> -> memref<512xi32, #tpu.memory_space<hbm>>
      %dma_start3A_1159 = arith.constant 1024 : i32
      %dma_start3A_1160 = tpu.memref_slice %arg5[%dma_start3A_1159] : memref<2048xi32, #tpu.memory_space<vmem>> -> memref<512xi32, #tpu.memory_space<vmem>>
      %dma_start3A_1161 = tpu.memref_slice %arg3[%run_scoped3A_4, %mul3A_2] : memref<4x16384xi32, #tpu.memory_space<hbm>> -> memref<1x512xi32, #tpu.memory_space<hbm>>
      %dma_start3A_1162 = tpu.memref_squeeze %dma_start3A_1161 : memref<1x512xi32, #tpu.memory_space<hbm>> -> memref<512xi32, #tpu.memory_space<hbm>>
      tpu.enqueue_dma source(%dma_start3A_1162 : memref<512xi32, #tpu.memory_space<hbm>>) target(%dma_start3A_1160 : memref<512xi32, #tpu.memory_space<vmem>>) target_semaphore(%run_scoped3A_1154 : memref<!tpu.dma_semaphore, #tpu.memory_space<semaphore_mem>>)
      %dma_wait3A_1163 = arith.constant 1024 : i32
      %dma_wait3A_1164 = tpu.memref_slice %arg5[%dma_wait3A_1163] : memref<2048xi32, #tpu.memory_space<vmem>> -> memref<512xi32, #tpu.memory_space<vmem>>
      %dma_wait3A_1165 = tpu.memref_slice %arg3[%run_scoped3A_4, %mul3A_2] : memref<4x16384xi32, #tpu.memory_space<hbm>> -> memref<1x512xi32, #tpu.memory_space<hbm>>
      %dma_wait3A_1166 = tpu.memref_squeeze %dma_wait3A_1165 : memref<1x512xi32, #tpu.memory_space<hbm>> -> memref<512xi32, #tpu.memory_space<hbm>>
      %dma_wait3A_1167 = arith.constant 1024 : i32
      %dma_wait3A_1168 = tpu.memref_slice %arg5[%dma_wait3A_1167] : memref<2048xi32, #tpu.memory_space<vmem>> -> memref<512xi32, #tpu.memory_space<vmem>>
      %dma_wait3A_1169 = tpu.memref_slice %arg3[%run_scoped3A_4, %mul3A_2] : memref<4x16384xi32, #tpu.memory_space<hbm>> -> memref<1x512xi32, #tpu.memory_space<hbm>>
      %dma_wait3A_1170 = tpu.memref_squeeze %dma_wait3A_1169 : memref<1x512xi32, #tpu.memory_space<hbm>> -> memref<512xi32, #tpu.memory_space<hbm>>
      tpu.wait_dma2 semaphore(%run_scoped3A_1154 : memref<!tpu.dma_semaphore, #tpu.memory_space<semaphore_mem>>) src(%dma_wait3A_1170 : memref<512xi32, #tpu.memory_space<hbm>>) dst(%dma_wait3A_1168 : memref<512xi32, #tpu.memory_space<vmem>>)
      tpu.yield
    }) : () -> ()
    %run_scoped3A_5 = arith.constant 3 : i32
    "tpu.region"() ({
      %run_scoped3A_1154 = tpu.sem_alloc : memref<!tpu.dma_semaphore, #tpu.memory_space<semaphore_mem>>
      %dma_start3A_1155 = arith.constant 1536 : i32
      %dma_start3A_1156 = tpu.memref_slice %arg5[%dma_start3A_1155] : memref<2048xi32, #tpu.memory_space<vmem>> -> memref<512xi32, #tpu.memory_space<vmem>>
      %dma_start3A_1157 = tpu.memref_slice %arg3[%run_scoped3A_5, %mul3A_2] : memref<4x16384xi32, #tpu.memory_space<hbm>> -> memref<1x512xi32, #tpu.memory_space<hbm>>
      %dma_start3A_1158 = tpu.memref_squeeze %dma_start3A_1157 : memref<1x512xi32, #tpu.memory_space<hbm>> -> memref<512xi32, #tpu.memory_space<hbm>>
      %dma_start3A_1159 = arith.constant 1536 : i32
      %dma_start3A_1160 = tpu.memref_slice %arg5[%dma_start3A_1159] : memref<2048xi32, #tpu.memory_space<vmem>> -> memref<512xi32, #tpu.memory_space<vmem>>
      %dma_start3A_1161 = tpu.memref_slice %arg3[%run_scoped3A_5, %mul3A_2] : memref<4x16384xi32, #tpu.memory_space<hbm>> -> memref<1x512xi32, #tpu.memory_space<hbm>>
      %dma_start3A_1162 = tpu.memref_squeeze %dma_start3A_1161 : memref<1x512xi32, #tpu.memory_space<hbm>> -> memref<512xi32, #tpu.memory_space<hbm>>
      tpu.enqueue_dma source(%dma_start3A_1162 : memref<512xi32, #tpu.memory_space<hbm>>) target(%dma_start3A_1160 : memref<512xi32, #tpu.memory_space<vmem>>) target_semaphore(%run_scoped3A_1154 : memref<!tpu.dma_semaphore, #tpu.memory_space<semaphore_mem>>)
      %dma_wait3A_1163 = arith.constant 1536 : i32
      %dma_wait3A_1164 = tpu.memref_slice %arg5[%dma_wait3A_1163] : memref<2048xi32, #tpu.memory_space<vmem>> -> memref<512xi32, #tpu.memory_space<vmem>>
      %dma_wait3A_1165 = tpu.memref_slice %arg3[%run_scoped3A_5, %mul3A_2] : memref<4x16384xi32, #tpu.memory_space<hbm>> -> memref<1x512xi32, #tpu.memory_space<hbm>>
      %dma_wait3A_1166 = tpu.memref_squeeze %dma_wait3A_1165 : memref<1x512xi32, #tpu.memory_space<hbm>> -> memref<512xi32, #tpu.memory_space<hbm>>
      %dma_wait3A_1167 = arith.constant 1536 : i32
      %dma_wait3A_1168 = tpu.memref_slice %arg5[%dma_wait3A_1167] : memref<2048xi32, #tpu.memory_space<vmem>> -> memref<512xi32, #tpu.memory_space<vmem>>
      %dma_wait3A_1169 = tpu.memref_slice %arg3[%run_scoped3A_5, %mul3A_2] : memref<4x16384xi32, #tpu.memory_space<hbm>> -> memref<1x512xi32, #tpu.memory_space<hbm>>
      %dma_wait3A_1170 = tpu.memref_squeeze %dma_wait3A_1169 : memref<1x512xi32, #tpu.memory_space<hbm>> -> memref<512xi32, #tpu.memory_space<hbm>>
      tpu.wait_dma2 semaphore(%run_scoped3A_1154 : memref<!tpu.dma_semaphore, #tpu.memory_space<semaphore_mem>>) src(%dma_wait3A_1170 : memref<512xi32, #tpu.memory_space<hbm>>) dst(%dma_wait3A_1168 : memref<512xi32, #tpu.memory_space<vmem>>)
      tpu.yield
    }) : () -> ()
    %get3A = arith.constant 0 : index
    %get3A_6 = tpu.vector_load %arg5[%get3A] {strides = array<i32>} : memref<2048xi32, #tpu.memory_space<vmem>>, vector<16xi32>,
    %add3A_7 = arith.constant 0 : i32
    %add3A_8 = vector.broadcast %add3A_7 : i32 to vector<16xi32>
    %add3A_9 = arith.addi %get3A_6, %add3A_8 : vector<16xi32>
    %swap3A = arith.constant 0 : index
    %swap3A_10 = tpu.vector_load %arg6[%swap3A] {strides = array<i32>} : memref<2048xi32, #tpu.memory_space<vmem>>, vector<16xi32>,
    tpu.vector_store %arg6[%swap3A], %add3A_9 {strides = array<i32>} : memref<2048xi32, #tpu.memory_space<vmem>>, vector<16xi32>,
    %get3A_11 = arith.constant 16 : index
    %get3A_12 = tpu.vector_load %arg5[%get3A_11] {strides = array<i32>} : memref<2048xi32, #tpu.memory_space<vmem>>, vector<16xi32>,
    %add3A_13 = arith.constant 0 : i32
    %add3A_14 = vector.broadcast %add3A_13 : i32 to vector<16xi32>
    %add3A_15 = arith.addi %get3A_12, %add3A_14 : vector<16xi32>
    %swap3A_16 = arith.constant 16 : index
    %swap3A_17 = tpu.vector_load %arg6[%swap3A_16] {strides = array<i32>} : memref<2048xi32, #tpu.memory_space<vmem>>, vector<16xi32>,
    tpu.vector_store %arg6[%swap3A_16], %add3A_15 {strides = array<i32>} : memref<2048xi32, #tpu.memory_space<vmem>>, vector<16xi32>,
    %get3A_18 = arith.constant 32 : index
    %get3A_19 = tpu.vector_load %arg5[%get3A_18] {strides = array<i32>} : memref<2048xi32, #tpu.memory_space<vmem>>, vector<16xi32>,
    %add3A_20 = arith.constant 0 : i32
    %add3A_21 = vector.broadcast %add3A_20 : i32 to vector<16xi32>
    %add3A_22 = arith.addi %get3A_19, %add3A_21 : vector<16xi32>
    %swap3A_23 = arith.constant 32 : index
    %swap3A_24 = tpu.vector_load %arg6[%swap3A_23] {strides = array<i32>} : memref<2048xi32, #tpu.memory_space<vmem>>, vector<16xi32>,
    tpu.vector_store %arg6[%swap3A_23], %add3A_22 {strides = array<i32>} : memref<2048xi32, #tpu.memory_space<vmem>>, vector<16xi32>,
    %get3A_25 = arith.constant 48 : index
    %get3A_26 = tpu.vector_load %arg5[%get3A_25] {strides = array<i32>} : memref<2048xi32, #tpu.memory_space<vmem>>, vector<16xi32>,
    %add3A_27 = arith.constant 0 : i32
    %add3A_28 = vector.broadcast %add3A_27 : i32 to vector<16xi32>
    %add3A_29 = arith.addi %get3A_26, %add3A_28 : vector<16xi32>
    %swap3A_30 = arith.constant 48 : index
    %swap3A_31 = tpu.vector_load %arg6[%swap3A_30] {strides = array<i32>} : memref<2048xi32, #tpu.memory_space<vmem>>, vector<16xi32>,
    tpu.vector_store %arg6[%swap3A_30], %add3A_29 {strides = array<i32>} : memref<2048xi32, #tpu.memory_space<vmem>>, vector<16xi32>,
    %get3A_32 = arith.constant 64 : index
    %get3A_33 = tpu.vector_load %arg5[%get3A_32] {strides = array<i32>} : memref<2048xi32, #tpu.memory_space<vmem>>, vector<16xi32>,
    %add3A_34 = arith.constant 0 : i32
    %add3A_35 = vector.broadcast %add3A_34 : i32 to vector<16xi32>
    %add3A_36 = arith.addi %get3A_33, %add3A_35 : vector<16xi32>
    %swap3A_37 = arith.constant 64 : index
    %swap3A_38 = tpu.vector_load %arg6[%swap3A_37] {strides = array<i32>} : memref<2048xi32, #tpu.memory_space<vmem>>, vector<16xi32>,
    tpu.vector_store %arg6[%swap3A_37], %add3A_36 {strides = array<i32>} : memref<2048xi32, #tpu.memory_space<vmem>>, vector<16xi32>,
    %get3A_39 = arith.constant 80 : index
    %get3A_40 = tpu.vector_load %arg5[%get3A_39] {strides = array<i32>} : memref<2048xi32, #tpu.memory_space<vmem>>, vector<16xi32>,
    %add3A_41 = arith.constant 0 : i32
    %add3A_42 = vector.broadcast %add3A_41 : i32 to vector<16xi32>
    %add3A_43 = arith.addi %get3A_40, %add3A_42 : vector<16xi32>
    %swap3A_44 = arith.constant 80 : index
    %swap3A_45 = tpu.vector_load %arg6[%swap3A_44] {strides = array<i32>} : memref<2048xi32, #tpu.memory_space<vmem>>, vector<16xi32>,
    tpu.vector_store %arg6[%swap3A_44], %add3A_43 {strides = array<i32>} : memref<2048xi32, #tpu.memory_space<vmem>>, vector<16xi32>,
    %get3A_46 = arith.constant 96 : index
    %get3A_47 = tpu.vector_load %arg5[%get3A_46] {strides = array<i32>} : memref<2048xi32, #tpu.memory_space<vmem>>, vector<16xi32>,
    %add3A_48 = arith.constant 0 : i32
    %add3A_49 = vector.broadcast %add3A_48 : i32 to vector<16xi32>
    %add3A_50 = arith.addi %get3A_47, %add3A_49 : vector<16xi32>
    %swap3A_51 = arith.constant 96 : index
    %swap3A_52 = tpu.vector_load %arg6[%swap3A_51] {strides = array<i32>} : memref<2048xi32, #tpu.memory_space<vmem>>, vector<16xi32>,
    tpu.vector_store %arg6[%swap3A_51], %add3A_50 {strides = array<i32>} : memref<2048xi32, #tpu.memory_space<vmem>>, vector<16xi32>,
    %get3A_53 = arith.constant 112 : index
    %get3A_54 = tpu.vector_load %arg5[%get3A_53] {strides = array<i32>} : memref<2048xi32, #tpu.memory_space<vmem>>, vector<16xi32>,
    %add3A_55 = arith.constant 0 : i32
    %add3A_56 = vector.broadcast %add3A_55 : i32 to vector<16xi32>
    %add3A_57 = arith.addi %get3A_54, %add3A_56 : vector<16xi32>
    %swap3A_58 = arith.constant 112 : index
    %swap3A_59 = tpu.vector_load %arg6[%swap3A_58] {strides = array<i32>} : memref<2048xi32, #tpu.memory_space<vmem>>, vector<16xi32>,
    tpu.vector_store %arg6[%swap3A_58], %add3A_57 {strides = array<i32>} : memref<2048xi32, #tpu.memory_space<vmem>>, vector<16xi32>,
    %get3A_60 = arith.constant 128 : index
    %get3A_61 = tpu.vector_load %arg5[%get3A_60] {strides = array<i32>} : memref<2048xi32, #tpu.memory_space<vmem>>, vector<16xi32>,
    %add3A_62 = arith.constant 0 : i32
    %add3A_63 = vector.broadcast %add3A_62 : i32 to vector<16xi32>
    %add3A_64 = arith.addi %get3A_61, %add3A_63 : vector<16xi32>
    %swap3A_65 = arith.constant 128 : index
    %swap3A_66 = tpu.vector_load %arg6[%swap3A_65] {strides = array<i32>} : memref<2048xi32, #tpu.memory_space<vmem>>, vector<16xi32>,
    tpu.vector_store %arg6[%swap3A_65], %add3A_64 {strides = array<i32>} : memref<2048xi32, #tpu.memory_space<vmem>>, vector<16xi32>,
    %get3A_67 = arith.constant 144 : index
    %get3A_68 = tpu.vector_load %arg5[%get3A_67] {strides = array<i32>} : memref<2048xi32, #tpu.memory_space<vmem>>, vector<16xi32>,
    %add3A_69 = arith.constant 0 : i32
    %add3A_70 = vector.broadcast %add3A_69 : i32 to vector<16xi32>
    %add3A_71 = arith.addi %get3A_68, %add3A_70 : vector<16xi32>
    %swap3A_72 = arith.constant 144 : index
    %swap3A_73 = tpu.vector_load %arg6[%swap3A_72] {strides = array<i32>} : memref<2048xi32, #tpu.memory_space<vmem>>, vector<16xi32>,
    tpu.vector_store %arg6[%swap3A_72], %add3A_71 {strides = array<i32>} : memref<2048xi32, #tpu.memory_space<vmem>>, vector<16xi32>,
    %get3A_74 = arith.constant 160 : index
    %get3A_75 = tpu.vector_load %arg5[%get3A_74] {strides = array<i32>} : memref<2048xi32, #tpu.memory_space<vmem>>, vector<16xi32>,
    %add3A_76 = arith.constant 0 : i32
    %add3A_77 = vector.broadcast %add3A_76 : i32 to vector<16xi32>
    %add3A_78 = arith.addi %get3A_75, %add3A_77 : vector<16xi32>
    %swap3A_79 = arith.constant 160 : index
    %swap3A_80 = tpu.vector_load %arg6[%swap3A_79] {strides = array<i32>} : memref<2048xi32, #tpu.memory_space<vmem>>, vector<16xi32>,
    tpu.vector_store %arg6[%swap3A_79], %add3A_78 {strides = array<i32>} : memref<2048xi32, #tpu.memory_space<vmem>>, vector<16xi32>,
    %get3A_81 = arith.constant 176 : index
    %get3A_82 = tpu.vector_load %arg5[%get3A_81] {strides = array<i32>} : memref<2048xi32, #tpu.memory_space<vmem>>, vector<16xi32>,
    %add3A_83 = arith.constant 0 : i32
    %add3A_84 = vector.broadcast %add3A_83 : i32 to vector<16xi32>
    %add3A_85 = arith.addi %get3A_82, %add3A_84 : vector<16xi32>
    %swap3A_86 = arith.constant 176 : index
    %swap3A_87 = tpu.vector_load %arg6[%swap3A_86] {strides = array<i32>} : memref<2048xi32, #tpu.memory_space<vmem>>, vector<16xi32>,
    tpu.vector_store %arg6[%swap3A_86], %add3A_85 {strides = array<i32>} : memref<2048xi32, #tpu.memory_space<vmem>>, vector<16xi32>,
    %get3A_88 = arith.constant 192 : index
    %get3A_89 = tpu.vector_load %arg5[%get3A_88] {strides = array<i32>} : memref<2048xi32, #tpu.memory_space<vmem>>, vector<16xi32>,
    %add3A_90 = arith.constant 0 : i32
    %add3A_91 = vector.broadcast %add3A_90 : i32 to vector<16xi32>
    %add3A_92 = arith.addi %get3A_89, %add3A_91 : vector<16xi32>
    %swap3A_93 = arith.constant 192 : index
    %swap3A_94 = tpu.vector_load %arg6[%swap3A_93] {strides = array<i32>} : memref<2048xi32, #tpu.memory_space<vmem>>, vector<16xi32>,
    tpu.vector_store %arg6[%swap3A_93], %add3A_92 {strides = array<i32>} : memref<2048xi32, #tpu.memory_space<vmem>>, vector<16xi32>,
    %get3A_95 = arith.constant 208 : index
    %get3A_96 = tpu.vector_load %arg5[%get3A_95] {strides = array<i32>} : memref<2048xi32, #tpu.memory_space<vmem>>, vector<16xi32>,
    %add3A_97 = arith.constant 0 : i32
    %add3A_98 = vector.broadcast %add3A_97 : i32 to vector<16xi32>
    %add3A_99 = arith.addi %get3A_96, %add3A_98 : vector<16xi32>
    %swap3A_100 = arith.constant 208 : index
    %swap3A_101 = tpu.vector_load %arg6[%swap3A_100] {strides = array<i32>} : memref<2048xi32, #tpu.memory_space<vmem>>, vector<16xi32>,
    tpu.vector_store %arg6[%swap3A_100], %add3A_99 {strides = array<i32>} : memref<2048xi32, #tpu.memory_space<vmem>>, vector<16xi32>,
    %get3A_102 = arith.constant 224 : index
    %get3A_103 = tpu.vector_load %arg5[%get3A_102] {strides = array<i32>} : memref<2048xi32, #tpu.memory_space<vmem>>, vector<16xi32>,
    %add3A_104 = arith.constant 0 : i32
    %add3A_105 = vector.broadcast %add3A_104 : i32 to vector<16xi32>
    %add3A_106 = arith.addi %get3A_103, %add3A_105 : vector<16xi32>
    %swap3A_107 = arith.constant 224 : index
    %swap3A_108 = tpu.vector_load %arg6[%swap3A_107] {strides = array<i32>} : memref<2048xi32, #tpu.memory_space<vmem>>, vector<16xi32>,
    tpu.vector_store %arg6[%swap3A_107], %add3A_106 {strides = array<i32>} : memref<2048xi32, #tpu.memory_space<vmem>>, vector<16xi32>,
    %get3A_109 = arith.constant 240 : index
    %get3A_110 = tpu.vector_load %arg5[%get3A_109] {strides = array<i32>} : memref<2048xi32, #tpu.memory_space<vmem>>, vector<16xi32>,
    %add3A_111 = arith.constant 0 : i32
    %add3A_112 = vector.broadcast %add3A_111 : i32 to vector<16xi32>
    %add3A_113 = arith.addi %get3A_110, %add3A_112 : vector<16xi32>
    %swap3A_114 = arith.constant 240 : index
    %swap3A_115 = tpu.vector_load %arg6[%swap3A_114] {strides = array<i32>} : memref<2048xi32, #tpu.memory_space<vmem>>, vector<16xi32>,
    tpu.vector_store %arg6[%swap3A_114], %add3A_113 {strides = array<i32>} : memref<2048xi32, #tpu.memory_space<vmem>>, vector<16xi32>,
    %get3A_116 = arith.constant 256 : index
    %get3A_117 = tpu.vector_load %arg5[%get3A_116] {strides = array<i32>} : memref<2048xi32, #tpu.memory_space<vmem>>, vector<16xi32>,
    %add3A_118 = arith.constant 0 : i32
    %add3A_119 = vector.broadcast %add3A_118 : i32 to vector<16xi32>
    %add3A_120 = arith.addi %get3A_117, %add3A_119 : vector<16xi32>
    %swap3A_121 = arith.constant 256 : index
    %swap3A_122 = tpu.vector_load %arg6[%swap3A_121] {strides = array<i32>} : memref<2048xi32, #tpu.memory_space<vmem>>, vector<16xi32>,
    tpu.vector_store %arg6[%swap3A_121], %add3A_120 {strides = array<i32>} : memref<2048xi32, #tpu.memory_space<vmem>>, vector<16xi32>,
    %get3A_123 = arith.constant 272 : index
    %get3A_124 = tpu.vector_load %arg5[%get3A_123] {strides = array<i32>} : memref<2048xi32, #tpu.memory_space<vmem>>, vector<16xi32>,
    %add3A_125 = arith.constant 0 : i32
    %add3A_126 = vector.broadcast %add3A_125 : i32 to vector<16xi32>
    %add3A_127 = arith.addi %get3A_124, %add3A_126 : vector<16xi32>
    %swap3A_128 = arith.constant 272 : index
    %swap3A_129 = tpu.vector_load %arg6[%swap3A_128] {strides = array<i32>} : memref<2048xi32, #tpu.memory_space<vmem>>, vector<16xi32>,
    tpu.vector_store %arg6[%swap3A_128], %add3A_127 {strides = array<i32>} : memref<2048xi32, #tpu.memory_space<vmem>>, vector<16xi32>,
    %get3A_130 = arith.constant 288 : index
    %get3A_131 = tpu.vector_load %arg5[%get3A_130] {strides = array<i32>} : memref<2048xi32, #tpu.memory_space<vmem>>, vector<16xi32>,
    %add3A_132 = arith.constant 0 : i32
    %add3A_133 = vector.broadcast %add3A_132 : i32 to vector<16xi32>
    %add3A_134 = arith.addi %get3A_131, %add3A_133 : vector<16xi32>
    %swap3A_135 = arith.constant 288 : index
    %swap3A_136 = tpu.vector_load %arg6[%swap3A_135] {strides = array<i32>} : memref<2048xi32, #tpu.memory_space<vmem>>, vector<16xi32>,
    tpu.vector_store %arg6[%swap3A_135], %add3A_134 {strides = array<i32>} : memref<2048xi32, #tpu.memory_space<vmem>>, vector<16xi32>,
    %get3A_137 = arith.constant 304 : index
    %get3A_138 = tpu.vector_load %arg5[%get3A_137] {strides = array<i32>} : memref<2048xi32, #tpu.memory_space<vmem>>, vector<16xi32>,
    %add3A_139 = arith.constant 0 : i32
    %add3A_140 = vector.broadcast %add3A_139 : i32 to vector<16xi32>
    %add3A_141 = arith.addi %get3A_138, %add3A_140 : vector<16xi32>
    %swap3A_142 = arith.constant 304 : index
    %swap3A_143 = tpu.vector_load %arg6[%swap3A_142] {strides = array<i32>} : memref<2048xi32, #tpu.memory_space<vmem>>, vector<16xi32>,
    tpu.vector_store %arg6[%swap3A_142], %add3A_141 {strides = array<i32>} : memref<2048xi32, #tpu.memory_space<vmem>>, vector<16xi32>,
    %get3A_144 = arith.constant 320 : index
    %get3A_145 = tpu.vector_load %arg5[%get3A_144] {strides = array<i32>} : memref<2048xi32, #tpu.memory_space<vmem>>, vector<16xi32>,
    %add3A_146 = arith.constant 0 : i32
    %add3A_147 = vector.broadcast %add3A_146 : i32 to vector<16xi32>
    %add3A_148 = arith.addi %get3A_145, %add3A_147 : vector<16xi32>
    %swap3A_149 = arith.constant 320 : index
    %swap3A_150 = tpu.vector_load %arg6[%swap3A_149] {strides = array<i32>} : memref<2048xi32, #tpu.memory_space<vmem>>, vector<16xi32>,
    tpu.vector_store %arg6[%swap3A_149], %add3A_148 {strides = array<i32>} : memref<2048xi32, #tpu.memory_space<vmem>>, vector<16xi32>,
    %get3A_151 = arith.constant 336 : index
    %get3A_152 = tpu.vector_load %arg5[%get3A_151] {strides = array<i32>} : memref<2048xi32, #tpu.memory_space<vmem>>, vector<16xi32>,
    %add3A_153 = arith.constant 0 : i32
    %add3A_154 = vector.broadcast %add3A_153 : i32 to vector<16xi32>
    %add3A_155 = arith.addi %get3A_152, %add3A_154 : vector<16xi32>
    %swap3A_156 = arith.constant 336 : index
    %swap3A_157 = tpu.vector_load %arg6[%swap3A_156] {strides = array<i32>} : memref<2048xi32, #tpu.memory_space<vmem>>, vector<16xi32>,
    tpu.vector_store %arg6[%swap3A_156], %add3A_155 {strides = array<i32>} : memref<2048xi32, #tpu.memory_space<vmem>>, vector<16xi32>,
    %get3A_158 = arith.constant 352 : index
    %get3A_159 = tpu.vector_load %arg5[%get3A_158] {strides = array<i32>} : memref<2048xi32, #tpu.memory_space<vmem>>, vector<16xi32>,
    %add3A_160 = arith.constant 0 : i32
    %add3A_161 = vector.broadcast %add3A_160 : i32 to vector<16xi32>
    %add3A_162 = arith.addi %get3A_159, %add3A_161 : vector<16xi32>
    %swap3A_163 = arith.constant 352 : index
    %swap3A_164 = tpu.vector_load %arg6[%swap3A_163] {strides = array<i32>} : memref<2048xi32, #tpu.memory_space<vmem>>, vector<16xi32>,
    tpu.vector_store %arg6[%swap3A_163], %add3A_162 {strides = array<i32>} : memref<2048xi32, #tpu.memory_space<vmem>>, vector<16xi32>,
    %get3A_165 = arith.constant 368 : index
    %get3A_166 = tpu.vector_load %arg5[%get3A_165] {strides = array<i32>} : memref<2048xi32, #tpu.memory_space<vmem>>, vector<16xi32>,
    %add3A_167 = arith.constant 0 : i32
    %add3A_168 = vector.broadcast %add3A_167 : i32 to vector<16xi32>
    %add3A_169 = arith.addi %get3A_166, %add3A_168 : vector<16xi32>
    %swap3A_170 = arith.constant 368 : index
    %swap3A_171 = tpu.vector_load %arg6[%swap3A_170] {strides = array<i32>} : memref<2048xi32, #tpu.memory_space<vmem>>, vector<16xi32>,
    tpu.vector_store %arg6[%swap3A_170], %add3A_169 {strides = array<i32>} : memref<2048xi32, #tpu.memory_space<vmem>>, vector<16xi32>,
    %get3A_172 = arith.constant 384 : index
    %get3A_173 = tpu.vector_load %arg5[%get3A_172] {strides = array<i32>} : memref<2048xi32, #tpu.memory_space<vmem>>, vector<16xi32>,
    %add3A_174 = arith.constant 0 : i32
    %add3A_175 = vector.broadcast %add3A_174 : i32 to vector<16xi32>
    %add3A_176 = arith.addi %get3A_173, %add3A_175 : vector<16xi32>
    %swap3A_177 = arith.constant 384 : index
    %swap3A_178 = tpu.vector_load %arg6[%swap3A_177] {strides = array<i32>} : memref<2048xi32, #tpu.memory_space<vmem>>, vector<16xi32>,
    tpu.vector_store %arg6[%swap3A_177], %add3A_176 {strides = array<i32>} : memref<2048xi32, #tpu.memory_space<vmem>>, vector<16xi32>,
    %get3A_179 = arith.constant 400 : index
    %get3A_180 = tpu.vector_load %arg5[%get3A_179] {strides = array<i32>} : memref<2048xi32, #tpu.memory_space<vmem>>, vector<16xi32>,
    %add3A_181 = arith.constant 0 : i32
    %add3A_182 = vector.broadcast %add3A_181 : i32 to vector<16xi32>
    %add3A_183 = arith.addi %get3A_180, %add3A_182 : vector<16xi32>
    %swap3A_184 = arith.constant 400 : index
    %swap3A_185 = tpu.vector_load %arg6[%swap3A_184] {strides = array<i32>} : memref<2048xi32, #tpu.memory_space<vmem>>, vector<16xi32>,
    tpu.vector_store %arg6[%swap3A_184], %add3A_183 {strides = array<i32>} : memref<2048xi32, #tpu.memory_space<vmem>>, vector<16xi32>,
    %get3A_186 = arith.constant 416 : index
    %get3A_187 = tpu.vector_load %arg5[%get3A_186] {strides = array<i32>} : memref<2048xi32, #tpu.memory_space<vmem>>, vector<16xi32>,
    %add3A_188 = arith.constant 0 : i32
    %add3A_189 = vector.broadcast %add3A_188 : i32 to vector<16xi32>
    %add3A_190 = arith.addi %get3A_187, %add3A_189 : vector<16xi32>
    %swap3A_191 = arith.constant 416 : index
    %swap3A_192 = tpu.vector_load %arg6[%swap3A_191] {strides = array<i32>} : memref<2048xi32, #tpu.memory_space<vmem>>, vector<16xi32>,
    tpu.vector_store %arg6[%swap3A_191], %add3A_190 {strides = array<i32>} : memref<2048xi32, #tpu.memory_space<vmem>>, vector<16xi32>,
    %get3A_193 = arith.constant 432 : index
    %get3A_194 = tpu.vector_load %arg5[%get3A_193] {strides = array<i32>} : memref<2048xi32, #tpu.memory_space<vmem>>, vector<16xi32>,
    %add3A_195 = arith.constant 0 : i32
    %add3A_196 = vector.broadcast %add3A_195 : i32 to vector<16xi32>
    %add3A_197 = arith.addi %get3A_194, %add3A_196 : vector<16xi32>
    %swap3A_198 = arith.constant 432 : index
    %swap3A_199 = tpu.vector_load %arg6[%swap3A_198] {strides = array<i32>} : memref<2048xi32, #tpu.memory_space<vmem>>, vector<16xi32>,
    tpu.vector_store %arg6[%swap3A_198], %add3A_197 {strides = array<i32>} : memref<2048xi32, #tpu.memory_space<vmem>>, vector<16xi32>,
    %get3A_200 = arith.constant 448 : index
    %get3A_201 = tpu.vector_load %arg5[%get3A_200] {strides = array<i32>} : memref<2048xi32, #tpu.memory_space<vmem>>, vector<16xi32>,
    %add3A_202 = arith.constant 0 : i32
    %add3A_203 = vector.broadcast %add3A_202 : i32 to vector<16xi32>
    %add3A_204 = arith.addi %get3A_201, %add3A_203 : vector<16xi32>
    %swap3A_205 = arith.constant 448 : index
    %swap3A_206 = tpu.vector_load %arg6[%swap3A_205] {strides = array<i32>} : memref<2048xi32, #tpu.memory_space<vmem>>, vector<16xi32>,
    tpu.vector_store %arg6[%swap3A_205], %add3A_204 {strides = array<i32>} : memref<2048xi32, #tpu.memory_space<vmem>>, vector<16xi32>,
    %get3A_207 = arith.constant 464 : index
    %get3A_208 = tpu.vector_load %arg5[%get3A_207] {strides = array<i32>} : memref<2048xi32, #tpu.memory_space<vmem>>, vector<16xi32>,
    %add3A_209 = arith.constant 0 : i32
    %add3A_210 = vector.broadcast %add3A_209 : i32 to vector<16xi32>
    %add3A_211 = arith.addi %get3A_208, %add3A_210 : vector<16xi32>
    %swap3A_212 = arith.constant 464 : index
    %swap3A_213 = tpu.vector_load %arg6[%swap3A_212] {strides = array<i32>} : memref<2048xi32, #tpu.memory_space<vmem>>, vector<16xi32>,
    tpu.vector_store %arg6[%swap3A_212], %add3A_211 {strides = array<i32>} : memref<2048xi32, #tpu.memory_space<vmem>>, vector<16xi32>,
    %get3A_214 = arith.constant 480 : index
    %get3A_215 = tpu.vector_load %arg5[%get3A_214] {strides = array<i32>} : memref<2048xi32, #tpu.memory_space<vmem>>, vector<16xi32>,
    %add3A_216 = arith.constant 0 : i32
    %add3A_217 = vector.broadcast %add3A_216 : i32 to vector<16xi32>
    %add3A_218 = arith.addi %get3A_215, %add3A_217 : vector<16xi32>
    %swap3A_219 = arith.constant 480 : index
    %swap3A_220 = tpu.vector_load %arg6[%swap3A_219] {strides = array<i32>} : memref<2048xi32, #tpu.memory_space<vmem>>, vector<16xi32>,
    tpu.vector_store %arg6[%swap3A_219], %add3A_218 {strides = array<i32>} : memref<2048xi32, #tpu.memory_space<vmem>>, vector<16xi32>,
    %get3A_221 = arith.constant 496 : index
    %get3A_222 = tpu.vector_load %arg5[%get3A_221] {strides = array<i32>} : memref<2048xi32, #tpu.memory_space<vmem>>, vector<16xi32>,
    %add3A_223 = arith.constant 0 : i32
    %add3A_224 = vector.broadcast %add3A_223 : i32 to vector<16xi32>
    %add3A_225 = arith.addi %get3A_222, %add3A_224 : vector<16xi32>
    %swap3A_226 = arith.constant 496 : index
    %swap3A_227 = tpu.vector_load %arg6[%swap3A_226] {strides = array<i32>} : memref<2048xi32, #tpu.memory_space<vmem>>, vector<16xi32>,
    tpu.vector_store %arg6[%swap3A_226], %add3A_225 {strides = array<i32>} : memref<2048xi32, #tpu.memory_space<vmem>>, vector<16xi32>,
    %dma_start3A = arith.constant 0 : i32
    %dma_start3A_228 = arith.constant 0 : i32
    %dma_start3A_229 = tpu.memref_slice %arg7[%dma_start3A, %dma_start3A_228] : memref<512x32xf32, #tpu.memory_space<vmem>> -> memref<128x32xf32, #tpu.memory_space<vmem>>
    %dma_start3A_230 = arith.constant 0 : i32
    %dma_start3A_231 = tpu.memref_slice %arg6[%dma_start3A_230] : memref<2048xi32, #tpu.memory_space<vmem>> -> memref<128xi32, #tpu.memory_space<vmem>>
    %dma_start3A_232 = arith.constant 0 : i32
    %dma_start3A_233 = arith.constant 0 : i32
    %dma_start3A_234 = tpu.memref_slice %arg2[%dma_start3A_232, %dma_start3A_233] : memref<1024x32xf32, #tpu.memory_space<hbm>> -> memref<1024x32xf32, #tpu.memory_space<hbm>>
    tpu.enqueue_indirect_dma source(%dma_start3A_234 : memref<1024x32xf32, #tpu.memory_space<hbm>>) target(%dma_start3A_229 : memref<128x32xf32, #tpu.memory_space<vmem>>) offsets(%dma_start3A_231 : memref<128xi32, #tpu.memory_space<vmem>>) semaphore(%arg8 : memref<!tpu.dma_semaphore, #tpu.memory_space<semaphore_mem>>)
    %dma_start3A_235 = arith.constant 128 : i32
    %dma_start3A_236 = arith.constant 0 : i32
    %dma_start3A_237 = tpu.memref_slice %arg7[%dma_start3A_235, %dma_start3A_236] : memref<512x32xf32, #tpu.memory_space<vmem>> -> memref<128x32xf32, #tpu.memory_space<vmem>>
    %dma_start3A_238 = arith.constant 128 : i32
    %dma_start3A_239 = tpu.memref_slice %arg6[%dma_start3A_238] : memref<2048xi32, #tpu.memory_space<vmem>> -> memref<128xi32, #tpu.memory_space<vmem>>
    %dma_start3A_240 = arith.constant 0 : i32
    %dma_start3A_241 = arith.constant 0 : i32
    %dma_start3A_242 = tpu.memref_slice %arg2[%dma_start3A_240, %dma_start3A_241] : memref<1024x32xf32, #tpu.memory_space<hbm>> -> memref<1024x32xf32, #tpu.memory_space<hbm>>
    tpu.enqueue_indirect_dma source(%dma_start3A_242 : memref<1024x32xf32, #tpu.memory_space<hbm>>) target(%dma_start3A_237 : memref<128x32xf32, #tpu.memory_space<vmem>>) offsets(%dma_start3A_239 : memref<128xi32, #tpu.memory_space<vmem>>) semaphore(%arg8 : memref<!tpu.dma_semaphore, #tpu.memory_space<semaphore_mem>>)
    %dma_start3A_243 = arith.constant 256 : i32
    %dma_start3A_244 = arith.constant 0 : i32
    %dma_start3A_245 = tpu.memref_slice %arg7[%dma_start3A_243, %dma_start3A_244] : memref<512x32xf32, #tpu.memory_space<vmem>> -> memref<128x32xf32, #tpu.memory_space<vmem>>
    %dma_start3A_246 = arith.constant 256 : i32
    %dma_start3A_247 = tpu.memref_slice %arg6[%dma_start3A_246] : memref<2048xi32, #tpu.memory_space<vmem>> -> memref<128xi32, #tpu.memory_space<vmem>>
    %dma_start3A_248 = arith.constant 0 : i32
    %dma_start3A_249 = arith.constant 0 : i32
    %dma_start3A_250 = tpu.memref_slice %arg2[%dma_start3A_248, %dma_start3A_249] : memref<1024x32xf32, #tpu.memory_space<hbm>> -> memref<1024x32xf32, #tpu.memory_space<hbm>>
    tpu.enqueue_indirect_dma source(%dma_start3A_250 : memref<1024x32xf32, #tpu.memory_space<hbm>>) target(%dma_start3A_245 : memref<128x32xf32, #tpu.memory_space<vmem>>) offsets(%dma_start3A_247 : memref<128xi32, #tpu.memory_space<vmem>>) semaphore(%arg8 : memref<!tpu.dma_semaphore, #tpu.memory_space<semaphore_mem>>)
    %dma_start3A_251 = arith.constant 384 : i32
    %dma_start3A_252 = arith.constant 0 : i32
    %dma_start3A_253 = tpu.memref_slice %arg7[%dma_start3A_251, %dma_start3A_252] : memref<512x32xf32, #tpu.memory_space<vmem>> -> memref<128x32xf32, #tpu.memory_space<vmem>>
    %dma_start3A_254 = arith.constant 384 : i32
    %dma_start3A_255 = tpu.memref_slice %arg6[%dma_start3A_254] : memref<2048xi32, #tpu.memory_space<vmem>> -> memref<128xi32, #tpu.memory_space<vmem>>
    %dma_start3A_256 = arith.constant 0 : i32
    %dma_start3A_257 = arith.constant 0 : i32
    %dma_start3A_258 = tpu.memref_slice %arg2[%dma_start3A_256, %dma_start3A_257] : memref<1024x32xf32, #tpu.memory_space<hbm>> -> memref<1024x32xf32, #tpu.memory_space<hbm>>
    tpu.enqueue_indirect_dma source(%dma_start3A_258 : memref<1024x32xf32, #tpu.memory_space<hbm>>) target(%dma_start3A_253 : memref<128x32xf32, #tpu.memory_space<vmem>>) offsets(%dma_start3A_255 : memref<128xi32, #tpu.memory_space<vmem>>) semaphore(%arg8 : memref<!tpu.dma_semaphore, #tpu.memory_space<semaphore_mem>>)
    %get3A_259 = arith.constant 512 : index
    %get3A_260 = tpu.vector_load %arg5[%get3A_259] {strides = array<i32>} : memref<2048xi32, #tpu.memory_space<vmem>>, vector<16xi32>,
    %add3A_261 = arith.constant 256 : i32
    %add3A_262 = vector.broadcast %add3A_261 : i32 to vector<16xi32>
    %add3A_263 = arith.addi %get3A_260, %add3A_262 : vector<16xi32>
    %swap3A_264 = arith.constant 512 : index
    %swap3A_265 = tpu.vector_load %arg6[%swap3A_264] {strides = array<i32>} : memref<2048xi32, #tpu.memory_space<vmem>>, vector<16xi32>,
    tpu.vector_store %arg6[%swap3A_264], %add3A_263 {strides = array<i32>} : memref<2048xi32, #tpu.memory_space<vmem>>, vector<16xi32>,
    %get3A_266 = arith.constant 528 : index
    %get3A_267 = tpu.vector_load %arg5[%get3A_266] {strides = array<i32>} : memref<2048xi32, #tpu.memory_space<vmem>>, vector<16xi32>,
    %add3A_268 = arith.constant 256 : i32
    %add3A_269 = vector.broadcast %add3A_268 : i32 to vector<16xi32>
    %add3A_270 = arith.addi %get3A_267, %add3A_269 : vector<16xi32>
    %swap3A_271 = arith.constant 528 : index
    %swap3A_272 = tpu.vector_load %arg6[%swap3A_271] {strides = array<i32>} : memref<2048xi32, #tpu.memory_space<vmem>>, vector<16xi32>,
    tpu.vector_store %arg6[%swap3A_271], %add3A_270 {strides = array<i32>} : memref<2048xi32, #tpu.memory_space<vmem>>, vector<16xi32>,
    %get3A_273 = arith.constant 544 : index
    %get3A_274 = tpu.vector_load %arg5[%get3A_273] {strides = array<i32>} : memref<2048xi32, #tpu.memory_space<vmem>>, vector<16xi32>,
    %add3A_275 = arith.constant 256 : i32
    %add3A_276 = vector.broadcast %add3A_275 : i32 to vector<16xi32>
    %add3A_277 = arith.addi %get3A_274, %add3A_276 : vector<16xi32>
    %swap3A_278 = arith.constant 544 : index
    %swap3A_279 = tpu.vector_load %arg6[%swap3A_278] {strides = array<i32>} : memref<2048xi32, #tpu.memory_space<vmem>>, vector<16xi32>,
    tpu.vector_store %arg6[%swap3A_278], %add3A_277 {strides = array<i32>} : memref<2048xi32, #tpu.memory_space<vmem>>, vector<16xi32>,
    %get3A_280 = arith.constant 560 : index
    %get3A_281 = tpu.vector_load %arg5[%get3A_280] {strides = array<i32>} : memref<2048xi32, #tpu.memory_space<vmem>>, vector<16xi32>,
    %add3A_282 = arith.constant 256 : i32
    %add3A_283 = vector.broadcast %add3A_282 : i32 to vector<16xi32>
    %add3A_284 = arith.addi %get3A_281, %add3A_283 : vector<16xi32>
    %swap3A_285 = arith.constant 560 : index
    %swap3A_286 = tpu.vector_load %arg6[%swap3A_285] {strides = array<i32>} : memref<2048xi32, #tpu.memory_space<vmem>>, vector<16xi32>,
    tpu.vector_store %arg6[%swap3A_285], %add3A_284 {strides = array<i32>} : memref<2048xi32, #tpu.memory_space<vmem>>, vector<16xi32>,
    %get3A_287 = arith.constant 576 : index
    %get3A_288 = tpu.vector_load %arg5[%get3A_287] {strides = array<i32>} : memref<2048xi32, #tpu.memory_space<vmem>>, vector<16xi32>,
    %add3A_289 = arith.constant 256 : i32
    %add3A_290 = vector.broadcast %add3A_289 : i32 to vector<16xi32>
    %add3A_291 = arith.addi %get3A_288, %add3A_290 : vector<16xi32>
    %swap3A_292 = arith.constant 576 : index
    %swap3A_293 = tpu.vector_load %arg6[%swap3A_292] {strides = array<i32>} : memref<2048xi32, #tpu.memory_space<vmem>>, vector<16xi32>,
    tpu.vector_store %arg6[%swap3A_292], %add3A_291 {strides = array<i32>} : memref<2048xi32, #tpu.memory_space<vmem>>, vector<16xi32>,
    %get3A_294 = arith.constant 592 : index
    %get3A_295 = tpu.vector_load %arg5[%get3A_294] {strides = array<i32>} : memref<2048xi32, #tpu.memory_space<vmem>>, vector<16xi32>,
    %add3A_296 = arith.constant 256 : i32
    %add3A_297 = vector.broadcast %add3A_296 : i32 to vector<16xi32>
    %add3A_298 = arith.addi %get3A_295, %add3A_297 : vector<16xi32>
    %swap3A_299 = arith.constant 592 : index
    %swap3A_300 = tpu.vector_load %arg6[%swap3A_299] {strides = array<i32>} : memref<2048xi32, #tpu.memory_space<vmem>>, vector<16xi32>,
    tpu.vector_store %arg6[%swap3A_299], %add3A_298 {strides = array<i32>} : memref<2048xi32, #tpu.memory_space<vmem>>, vector<16xi32>,
    %get3A_301 = arith.constant 608 : index
    %get3A_302 = tpu.vector_load %arg5[%get3A_301] {strides = array<i32>} : memref<2048xi32, #tpu.memory_space<vmem>>, vector<16xi32>,
    %add3A_303 = arith.constant 256 : i32
    %add3A_304 = vector.broadcast %add3A_303 : i32 to vector<16xi32>
    %add3A_305 = arith.addi %get3A_302, %add3A_304 : vector<16xi32>
    %swap3A_306 = arith.constant 608 : index
    %swap3A_307 = tpu.vector_load %arg6[%swap3A_306] {strides = array<i32>} : memref<2048xi32, #tpu.memory_space<vmem>>, vector<16xi32>,
    tpu.vector_store %arg6[%swap3A_306], %add3A_305 {strides = array<i32>} : memref<2048xi32, #tpu.memory_space<vmem>>, vector<16xi32>,
    %get3A_308 = arith.constant 624 : index
    %get3A_309 = tpu.vector_load %arg5[%get3A_308] {strides = array<i32>} : memref<2048xi32, #tpu.memory_space<vmem>>, vector<16xi32>,
    %add3A_310 = arith.constant 256 : i32
    %add3A_311 = vector.broadcast %add3A_310 : i32 to vector<16xi32>
    %add3A_312 = arith.addi %get3A_309, %add3A_311 : vector<16xi32>
    %swap3A_313 = arith.constant 624 : index
    %swap3A_314 = tpu.vector_load %arg6[%swap3A_313] {strides = array<i32>} : memref<2048xi32, #tpu.memory_space<vmem>>, vector<16xi32>,
    tpu.vector_store %arg6[%swap3A_313], %add3A_312 {strides = array<i32>} : memref<2048xi32, #tpu.memory_space<vmem>>, vector<16xi32>,
    %get3A_315 = arith.constant 640 : index
    %get3A_316 = tpu.vector_load %arg5[%get3A_315] {strides = array<i32>} : memref<2048xi32, #tpu.memory_space<vmem>>, vector<16xi32>,
    %add3A_317 = arith.constant 256 : i32
    %add3A_318 = vector.broadcast %add3A_317 : i32 to vector<16xi32>
    %add3A_319 = arith.addi %get3A_316, %add3A_318 : vector<16xi32>
    %swap3A_320 = arith.constant 640 : index
    %swap3A_321 = tpu.vector_load %arg6[%swap3A_320] {strides = array<i32>} : memref<2048xi32, #tpu.memory_space<vmem>>, vector<16xi32>,
    tpu.vector_store %arg6[%swap3A_320], %add3A_319 {strides = array<i32>} : memref<2048xi32, #tpu.memory_space<vmem>>, vector<16xi32>,
    %get3A_322 = arith.constant 656 : index
    %get3A_323 = tpu.vector_load %arg5[%get3A_322] {strides = array<i32>} : memref<2048xi32, #tpu.memory_space<vmem>>, vector<16xi32>,
    %add3A_324 = arith.constant 256 : i32
    %add3A_325 = vector.broadcast %add3A_324 : i32 to vector<16xi32>
    %add3A_326 = arith.addi %get3A_323, %add3A_325 : vector<16xi32>
    %swap3A_327 = arith.constant 656 : index
    %swap3A_328 = tpu.vector_load %arg6[%swap3A_327] {strides = array<i32>} : memref<2048xi32, #tpu.memory_space<vmem>>, vector<16xi32>,
    tpu.vector_store %arg6[%swap3A_327], %add3A_326 {strides = array<i32>} : memref<2048xi32, #tpu.memory_space<vmem>>, vector<16xi32>,
    %get3A_329 = arith.constant 672 : index
    %get3A_330 = tpu.vector_load %arg5[%get3A_329] {strides = array<i32>} : memref<2048xi32, #tpu.memory_space<vmem>>, vector<16xi32>,
    %add3A_331 = arith.constant 256 : i32
    %add3A_332 = vector.broadcast %add3A_331 : i32 to vector<16xi32>
    %add3A_333 = arith.addi %get3A_330, %add3A_332 : vector<16xi32>
    %swap3A_334 = arith.constant 672 : index
    %swap3A_335 = tpu.vector_load %arg6[%swap3A_334] {strides = array<i32>} : memref<2048xi32, #tpu.memory_space<vmem>>, vector<16xi32>,
    tpu.vector_store %arg6[%swap3A_334], %add3A_333 {strides = array<i32>} : memref<2048xi32, #tpu.memory_space<vmem>>, vector<16xi32>,
    %get3A_336 = arith.constant 688 : index
    %get3A_337 = tpu.vector_load %arg5[%get3A_336] {strides = array<i32>} : memref<2048xi32, #tpu.memory_space<vmem>>, vector<16xi32>,
    %add3A_338 = arith.constant 256 : i32
    %add3A_339 = vector.broadcast %add3A_338 : i32 to vector<16xi32>
    %add3A_340 = arith.addi %get3A_337, %add3A_339 : vector<16xi32>
    %swap3A_341 = arith.constant 688 : index
    %swap3A_342 = tpu.vector_load %arg6[%swap3A_341] {strides = array<i32>} : memref<2048xi32, #tpu.memory_space<vmem>>, vector<16xi32>,
    tpu.vector_store %arg6[%swap3A_341], %add3A_340 {strides = array<i32>} : memref<2048xi32, #tpu.memory_space<vmem>>, vector<16xi32>,
    %get3A_343 = arith.constant 704 : index
    %get3A_344 = tpu.vector_load %arg5[%get3A_343] {strides = array<i32>} : memref<2048xi32, #tpu.memory_space<vmem>>, vector<16xi32>,
    %add3A_345 = arith.constant 256 : i32
    %add3A_346 = vector.broadcast %add3A_345 : i32 to vector<16xi32>
    %add3A_347 = arith.addi %get3A_344, %add3A_346 : vector<16xi32>
    %swap3A_348 = arith.constant 704 : index
    %swap3A_349 = tpu.vector_load %arg6[%swap3A_348] {strides = array<i32>} : memref<2048xi32, #tpu.memory_space<vmem>>, vector<16xi32>,
    tpu.vector_store %arg6[%swap3A_348], %add3A_347 {strides = array<i32>} : memref<2048xi32, #tpu.memory_space<vmem>>, vector<16xi32>,
    %get3A_350 = arith.constant 720 : index
    %get3A_351 = tpu.vector_load %arg5[%get3A_350] {strides = array<i32>} : memref<2048xi32, #tpu.memory_space<vmem>>, vector<16xi32>,
    %add3A_352 = arith.constant 256 : i32
    %add3A_353 = vector.broadcast %add3A_352 : i32 to vector<16xi32>
    %add3A_354 = arith.addi %get3A_351, %add3A_353 : vector<16xi32>
    %swap3A_355 = arith.constant 720 : index
    %swap3A_356 = tpu.vector_load %arg6[%swap3A_355] {strides = array<i32>} : memref<2048xi32, #tpu.memory_space<vmem>>, vector<16xi32>,
    tpu.vector_store %arg6[%swap3A_355], %add3A_354 {strides = array<i32>} : memref<2048xi32, #tpu.memory_space<vmem>>, vector<16xi32>,
    %get3A_357 = arith.constant 736 : index
    %get3A_358 = tpu.vector_load %arg5[%get3A_357] {strides = array<i32>} : memref<2048xi32, #tpu.memory_space<vmem>>, vector<16xi32>,
    %add3A_359 = arith.constant 256 : i32
    %add3A_360 = vector.broadcast %add3A_359 : i32 to vector<16xi32>
    %add3A_361 = arith.addi %get3A_358, %add3A_360 : vector<16xi32>
    %swap3A_362 = arith.constant 736 : index
    %swap3A_363 = tpu.vector_load %arg6[%swap3A_362] {strides = array<i32>} : memref<2048xi32, #tpu.memory_space<vmem>>, vector<16xi32>,
    tpu.vector_store %arg6[%swap3A_362], %add3A_361 {strides = array<i32>} : memref<2048xi32, #tpu.memory_space<vmem>>, vector<16xi32>,
    %get3A_364 = arith.constant 752 : index
    %get3A_365 = tpu.vector_load %arg5[%get3A_364] {strides = array<i32>} : memref<2048xi32, #tpu.memory_space<vmem>>, vector<16xi32>,
    %add3A_366 = arith.constant 256 : i32
    %add3A_367 = vector.broadcast %add3A_366 : i32 to vector<16xi32>
    %add3A_368 = arith.addi %get3A_365, %add3A_367 : vector<16xi32>
    %swap3A_369 = arith.constant 752 : index
    %swap3A_370 = tpu.vector_load %arg6[%swap3A_369] {strides = array<i32>} : memref<2048xi32, #tpu.memory_space<vmem>>, vector<16xi32>,
    tpu.vector_store %arg6[%swap3A_369], %add3A_368 {strides = array<i32>} : memref<2048xi32, #tpu.memory_space<vmem>>, vector<16xi32>,
    %get3A_371 = arith.constant 768 : index
    %get3A_372 = tpu.vector_load %arg5[%get3A_371] {strides = array<i32>} : memref<2048xi32, #tpu.memory_space<vmem>>, vector<16xi32>,
    %add3A_373 = arith.constant 256 : i32
    %add3A_374 = vector.broadcast %add3A_373 : i32 to vector<16xi32>
    %add3A_375 = arith.addi %get3A_372, %add3A_374 : vector<16xi32>
    %swap3A_376 = arith.constant 768 : index
    %swap3A_377 = tpu.vector_load %arg6[%swap3A_376] {strides = array<i32>} : memref<2048xi32, #tpu.memory_space<vmem>>, vector<16xi32>,
    tpu.vector_store %arg6[%swap3A_376], %add3A_375 {strides = array<i32>} : memref<2048xi32, #tpu.memory_space<vmem>>, vector<16xi32>,
    %get3A_378 = arith.constant 784 : index
    %get3A_379 = tpu.vector_load %arg5[%get3A_378] {strides = array<i32>} : memref<2048xi32, #tpu.memory_space<vmem>>, vector<16xi32>,
    %add3A_380 = arith.constant 256 : i32
    %add3A_381 = vector.broadcast %add3A_380 : i32 to vector<16xi32>
    %add3A_382 = arith.addi %get3A_379, %add3A_381 : vector<16xi32>
    %swap3A_383 = arith.constant 784 : index
    %swap3A_384 = tpu.vector_load %arg6[%swap3A_383] {strides = array<i32>} : memref<2048xi32, #tpu.memory_space<vmem>>, vector<16xi32>,
    tpu.vector_store %arg6[%swap3A_383], %add3A_382 {strides = array<i32>} : memref<2048xi32, #tpu.memory_space<vmem>>, vector<16xi32>,
    %get3A_385 = arith.constant 800 : index
    %get3A_386 = tpu.vector_load %arg5[%get3A_385] {strides = array<i32>} : memref<2048xi32, #tpu.memory_space<vmem>>, vector<16xi32>,
    %add3A_387 = arith.constant 256 : i32
    %add3A_388 = vector.broadcast %add3A_387 : i32 to vector<16xi32>
    %add3A_389 = arith.addi %get3A_386, %add3A_388 : vector<16xi32>
    %swap3A_390 = arith.constant 800 : index
    %swap3A_391 = tpu.vector_load %arg6[%swap3A_390] {strides = array<i32>} : memref<2048xi32, #tpu.memory_space<vmem>>, vector<16xi32>,
    tpu.vector_store %arg6[%swap3A_390], %add3A_389 {strides = array<i32>} : memref<2048xi32, #tpu.memory_space<vmem>>, vector<16xi32>,
    %get3A_392 = arith.constant 816 : index
    %get3A_393 = tpu.vector_load %arg5[%get3A_392] {strides = array<i32>} : memref<2048xi32, #tpu.memory_space<vmem>>, vector<16xi32>,
    %add3A_394 = arith.constant 256 : i32
    %add3A_395 = vector.broadcast %add3A_394 : i32 to vector<16xi32>
    %add3A_396 = arith.addi %get3A_393, %add3A_395 : vector<16xi32>
    %swap3A_397 = arith.constant 816 : index
    %swap3A_398 = tpu.vector_load %arg6[%swap3A_397] {strides = array<i32>} : memref<2048xi32, #tpu.memory_space<vmem>>, vector<16xi32>,
    tpu.vector_store %arg6[%swap3A_397], %add3A_396 {strides = array<i32>} : memref<2048xi32, #tpu.memory_space<vmem>>, vector<16xi32>,
    %get3A_399 = arith.constant 832 : index
    %get3A_400 = tpu.vector_load %arg5[%get3A_399] {strides = array<i32>} : memref<2048xi32, #tpu.memory_space<vmem>>, vector<16xi32>,
    %add3A_401 = arith.constant 256 : i32
    %add3A_402 = vector.broadcast %add3A_401 : i32 to vector<16xi32>
    %add3A_403 = arith.addi %get3A_400, %add3A_402 : vector<16xi32>
    %swap3A_404 = arith.constant 832 : index
    %swap3A_405 = tpu.vector_load %arg6[%swap3A_404] {strides = array<i32>} : memref<2048xi32, #tpu.memory_space<vmem>>, vector<16xi32>,
    tpu.vector_store %arg6[%swap3A_404], %add3A_403 {strides = array<i32>} : memref<2048xi32, #tpu.memory_space<vmem>>, vector<16xi32>,
    %get3A_406 = arith.constant 848 : index
    %get3A_407 = tpu.vector_load %arg5[%get3A_406] {strides = array<i32>} : memref<2048xi32, #tpu.memory_space<vmem>>, vector<16xi32>,
    %add3A_408 = arith.constant 256 : i32
    %add3A_409 = vector.broadcast %add3A_408 : i32 to vector<16xi32>
    %add3A_410 = arith.addi %get3A_407, %add3A_409 : vector<16xi32>
    %swap3A_411 = arith.constant 848 : index
    %swap3A_412 = tpu.vector_load %arg6[%swap3A_411] {strides = array<i32>} : memref<2048xi32, #tpu.memory_space<vmem>>, vector<16xi32>,
    tpu.vector_store %arg6[%swap3A_411], %add3A_410 {strides = array<i32>} : memref<2048xi32, #tpu.memory_space<vmem>>, vector<16xi32>,
    %get3A_413 = arith.constant 864 : index
    %get3A_414 = tpu.vector_load %arg5[%get3A_413] {strides = array<i32>} : memref<2048xi32, #tpu.memory_space<vmem>>, vector<16xi32>,
    %add3A_415 = arith.constant 256 : i32
    %add3A_416 = vector.broadcast %add3A_415 : i32 to vector<16xi32>
    %add3A_417 = arith.addi %get3A_414, %add3A_416 : vector<16xi32>
    %swap3A_418 = arith.constant 864 : index
    %swap3A_419 = tpu.vector_load %arg6[%swap3A_418] {strides = array<i32>} : memref<2048xi32, #tpu.memory_space<vmem>>, vector<16xi32>,
    tpu.vector_store %arg6[%swap3A_418], %add3A_417 {strides = array<i32>} : memref<2048xi32, #tpu.memory_space<vmem>>, vector<16xi32>,
    %get3A_420 = arith.constant 880 : index
    %get3A_421 = tpu.vector_load %arg5[%get3A_420] {strides = array<i32>} : memref<2048xi32, #tpu.memory_space<vmem>>, vector<16xi32>,
    %add3A_422 = arith.constant 256 : i32
    %add3A_423 = vector.broadcast %add3A_422 : i32 to vector<16xi32>
    %add3A_424 = arith.addi %get3A_421, %add3A_423 : vector<16xi32>
    %swap3A_425 = arith.constant 880 : index
    %swap3A_426 = tpu.vector_load %arg6[%swap3A_425] {strides = array<i32>} : memref<2048xi32, #tpu.memory_space<vmem>>, vector<16xi32>,
    tpu.vector_store %arg6[%swap3A_425], %add3A_424 {strides = array<i32>} : memref<2048xi32, #tpu.memory_space<vmem>>, vector<16xi32>,
    %get3A_427 = arith.constant 896 : index
    %get3A_428 = tpu.vector_load %arg5[%get3A_427] {strides = array<i32>} : memref<2048xi32, #tpu.memory_space<vmem>>, vector<16xi32>,
    %add3A_429 = arith.constant 256 : i32
    %add3A_430 = vector.broadcast %add3A_429 : i32 to vector<16xi32>
    %add3A_431 = arith.addi %get3A_428, %add3A_430 : vector<16xi32>
    %swap3A_432 = arith.constant 896 : index
    %swap3A_433 = tpu.vector_load %arg6[%swap3A_432] {strides = array<i32>} : memref<2048xi32, #tpu.memory_space<vmem>>, vector<16xi32>,
    tpu.vector_store %arg6[%swap3A_432], %add3A_431 {strides = array<i32>} : memref<2048xi32, #tpu.memory_space<vmem>>, vector<16xi32>,
    %get3A_434 = arith.constant 912 : index
    %get3A_435 = tpu.vector_load %arg5[%get3A_434] {strides = array<i32>} : memref<2048xi32, #tpu.memory_space<vmem>>, vector<16xi32>,
    %add3A_436 = arith.constant 256 : i32
    %add3A_437 = vector.broadcast %add3A_436 : i32 to vector<16xi32>
    %add3A_438 = arith.addi %get3A_435, %add3A_437 : vector<16xi32>
    %swap3A_439 = arith.constant 912 : index
    %swap3A_440 = tpu.vector_load %arg6[%swap3A_439] {strides = array<i32>} : memref<2048xi32, #tpu.memory_space<vmem>>, vector<16xi32>,
    tpu.vector_store %arg6[%swap3A_439], %add3A_438 {strides = array<i32>} : memref<2048xi32, #tpu.memory_space<vmem>>, vector<16xi32>,
    %get3A_441 = arith.constant 928 : index
    %get3A_442 = tpu.vector_load %arg5[%get3A_441] {strides = array<i32>} : memref<2048xi32, #tpu.memory_space<vmem>>, vector<16xi32>,
    %add3A_443 = arith.constant 256 : i32
    %add3A_444 = vector.broadcast %add3A_443 : i32 to vector<16xi32>
    %add3A_445 = arith.addi %get3A_442, %add3A_444 : vector<16xi32>
    %swap3A_446 = arith.constant 928 : index
    %swap3A_447 = tpu.vector_load %arg6[%swap3A_446] {strides = array<i32>} : memref<2048xi32, #tpu.memory_space<vmem>>, vector<16xi32>,
    tpu.vector_store %arg6[%swap3A_446], %add3A_445 {strides = array<i32>} : memref<2048xi32, #tpu.memory_space<vmem>>, vector<16xi32>,
    %get3A_448 = arith.constant 944 : index
    %get3A_449 = tpu.vector_load %arg5[%get3A_448] {strides = array<i32>} : memref<2048xi32, #tpu.memory_space<vmem>>, vector<16xi32>,
    %add3A_450 = arith.constant 256 : i32
    %add3A_451 = vector.broadcast %add3A_450 : i32 to vector<16xi32>
    %add3A_452 = arith.addi %get3A_449, %add3A_451 : vector<16xi32>
    %swap3A_453 = arith.constant 944 : index
    %swap3A_454 = tpu.vector_load %arg6[%swap3A_453] {strides = array<i32>} : memref<2048xi32, #tpu.memory_space<vmem>>, vector<16xi32>,
    tpu.vector_store %arg6[%swap3A_453], %add3A_452 {strides = array<i32>} : memref<2048xi32, #tpu.memory_space<vmem>>, vector<16xi32>,
    %get3A_455 = arith.constant 960 : index
    %get3A_456 = tpu.vector_load %arg5[%get3A_455] {strides = array<i32>} : memref<2048xi32, #tpu.memory_space<vmem>>, vector<16xi32>,
    %add3A_457 = arith.constant 256 : i32
    %add3A_458 = vector.broadcast %add3A_457 : i32 to vector<16xi32>
    %add3A_459 = arith.addi %get3A_456, %add3A_458 : vector<16xi32>
    %swap3A_460 = arith.constant 960 : index
    %swap3A_461 = tpu.vector_load %arg6[%swap3A_460] {strides = array<i32>} : memref<2048xi32, #tpu.memory_space<vmem>>, vector<16xi32>,
    tpu.vector_store %arg6[%swap3A_460], %add3A_459 {strides = array<i32>} : memref<2048xi32, #tpu.memory_space<vmem>>, vector<16xi32>,
    %get3A_462 = arith.constant 976 : index
    %get3A_463 = tpu.vector_load %arg5[%get3A_462] {strides = array<i32>} : memref<2048xi32, #tpu.memory_space<vmem>>, vector<16xi32>,
    %add3A_464 = arith.constant 256 : i32
    %add3A_465 = vector.broadcast %add3A_464 : i32 to vector<16xi32>
    %add3A_466 = arith.addi %get3A_463, %add3A_465 : vector<16xi32>
    %swap3A_467 = arith.constant 976 : index
    %swap3A_468 = tpu.vector_load %arg6[%swap3A_467] {strides = array<i32>} : memref<2048xi32, #tpu.memory_space<vmem>>, vector<16xi32>,
    tpu.vector_store %arg6[%swap3A_467], %add3A_466 {strides = array<i32>} : memref<2048xi32, #tpu.memory_space<vmem>>, vector<16xi32>,
    %get3A_469 = arith.constant 992 : index
    %get3A_470 = tpu.vector_load %arg5[%get3A_469] {strides = array<i32>} : memref<2048xi32, #tpu.memory_space<vmem>>, vector<16xi32>,
    %add3A_471 = arith.constant 256 : i32
    %add3A_472 = vector.broadcast %add3A_471 : i32 to vector<16xi32>
    %add3A_473 = arith.addi %get3A_470, %add3A_472 : vector<16xi32>
    %swap3A_474 = arith.constant 992 : index
    %swap3A_475 = tpu.vector_load %arg6[%swap3A_474] {strides = array<i32>} : memref<2048xi32, #tpu.memory_space<vmem>>, vector<16xi32>,
    tpu.vector_store %arg6[%swap3A_474], %add3A_473 {strides = array<i32>} : memref<2048xi32, #tpu.memory_space<vmem>>, vector<16xi32>,
    %get3A_476 = arith.constant 1008 : index
    %get3A_477 = tpu.vector_load %arg5[%get3A_476] {strides = array<i32>} : memref<2048xi32, #tpu.memory_space<vmem>>, vector<16xi32>,
    %add3A_478 = arith.constant 256 : i32
    %add3A_479 = vector.broadcast %add3A_478 : i32 to vector<16xi32>
    %add3A_480 = arith.addi %get3A_477, %add3A_479 : vector<16xi32>
    %swap3A_481 = arith.constant 1008 : index
    %swap3A_482 = tpu.vector_load %arg6[%swap3A_481] {strides = array<i32>} : memref<2048xi32, #tpu.memory_space<vmem>>, vector<16xi32>,
    tpu.vector_store %arg6[%swap3A_481], %add3A_480 {strides = array<i32>} : memref<2048xi32, #tpu.memory_space<vmem>>, vector<16xi32>,
    %get3A_483 = arith.constant 1024 : index
    %get3A_484 = tpu.vector_load %arg5[%get3A_483] {strides = array<i32>} : memref<2048xi32, #tpu.memory_space<vmem>>, vector<16xi32>,
    %add3A_485 = arith.constant 512 : i32
    %add3A_486 = vector.broadcast %add3A_485 : i32 to vector<16xi32>
    %add3A_487 = arith.addi %get3A_484, %add3A_486 : vector<16xi32>
    %swap3A_488 = arith.constant 1024 : index
    %swap3A_489 = tpu.vector_load %arg6[%swap3A_488] {strides = array<i32>} : memref<2048xi32, #tpu.memory_space<vmem>>, vector<16xi32>,
    tpu.vector_store %arg6[%swap3A_488], %add3A_487 {strides = array<i32>} : memref<2048xi32, #tpu.memory_space<vmem>>, vector<16xi32>,
    %get3A_490 = arith.constant 1040 : index
    %get3A_491 = tpu.vector_load %arg5[%get3A_490] {strides = array<i32>} : memref<2048xi32, #tpu.memory_space<vmem>>, vector<16xi32>,
    %add3A_492 = arith.constant 512 : i32
    %add3A_493 = vector.broadcast %add3A_492 : i32 to vector<16xi32>
    %add3A_494 = arith.addi %get3A_491, %add3A_493 : vector<16xi32>
    %swap3A_495 = arith.constant 1040 : index
    %swap3A_496 = tpu.vector_load %arg6[%swap3A_495] {strides = array<i32>} : memref<2048xi32, #tpu.memory_space<vmem>>, vector<16xi32>,
    tpu.vector_store %arg6[%swap3A_495], %add3A_494 {strides = array<i32>} : memref<2048xi32, #tpu.memory_space<vmem>>, vector<16xi32>,
    %get3A_497 = arith.constant 1056 : index
    %get3A_498 = tpu.vector_load %arg5[%get3A_497] {strides = array<i32>} : memref<2048xi32, #tpu.memory_space<vmem>>, vector<16xi32>,
    %add3A_499 = arith.constant 512 : i32
    %add3A_500 = vector.broadcast %add3A_499 : i32 to vector<16xi32>
    %add3A_501 = arith.addi %get3A_498, %add3A_500 : vector<16xi32>
    %swap3A_502 = arith.constant 1056 : index
    %swap3A_503 = tpu.vector_load %arg6[%swap3A_502] {strides = array<i32>} : memref<2048xi32, #tpu.memory_space<vmem>>, vector<16xi32>,
    tpu.vector_store %arg6[%swap3A_502], %add3A_501 {strides = array<i32>} : memref<2048xi32, #tpu.memory_space<vmem>>, vector<16xi32>,
    %get3A_504 = arith.constant 1072 : index
    %get3A_505 = tpu.vector_load %arg5[%get3A_504] {strides = array<i32>} : memref<2048xi32, #tpu.memory_space<vmem>>, vector<16xi32>,
    %add3A_506 = arith.constant 512 : i32
    %add3A_507 = vector.broadcast %add3A_506 : i32 to vector<16xi32>
    %add3A_508 = arith.addi %get3A_505, %add3A_507 : vector<16xi32>
    %swap3A_509 = arith.constant 1072 : index
    %swap3A_510 = tpu.vector_load %arg6[%swap3A_509] {strides = array<i32>} : memref<2048xi32, #tpu.memory_space<vmem>>, vector<16xi32>,
    tpu.vector_store %arg6[%swap3A_509], %add3A_508 {strides = array<i32>} : memref<2048xi32, #tpu.memory_space<vmem>>, vector<16xi32>,
    %get3A_511 = arith.constant 1088 : index
    %get3A_512 = tpu.vector_load %arg5[%get3A_511] {strides = array<i32>} : memref<2048xi32, #tpu.memory_space<vmem>>, vector<16xi32>,
    %add3A_513 = arith.constant 512 : i32
    %add3A_514 = vector.broadcast %add3A_513 : i32 to vector<16xi32>
    %add3A_515 = arith.addi %get3A_512, %add3A_514 : vector<16xi32>
    %swap3A_516 = arith.constant 1088 : index
    %swap3A_517 = tpu.vector_load %arg6[%swap3A_516] {strides = array<i32>} : memref<2048xi32, #tpu.memory_space<vmem>>, vector<16xi32>,
    tpu.vector_store %arg6[%swap3A_516], %add3A_515 {strides = array<i32>} : memref<2048xi32, #tpu.memory_space<vmem>>, vector<16xi32>,
    %get3A_518 = arith.constant 1104 : index
    %get3A_519 = tpu.vector_load %arg5[%get3A_518] {strides = array<i32>} : memref<2048xi32, #tpu.memory_space<vmem>>, vector<16xi32>,
    %add3A_520 = arith.constant 512 : i32
    %add3A_521 = vector.broadcast %add3A_520 : i32 to vector<16xi32>
    %add3A_522 = arith.addi %get3A_519, %add3A_521 : vector<16xi32>
    %swap3A_523 = arith.constant 1104 : index
    %swap3A_524 = tpu.vector_load %arg6[%swap3A_523] {strides = array<i32>} : memref<2048xi32, #tpu.memory_space<vmem>>, vector<16xi32>,
    tpu.vector_store %arg6[%swap3A_523], %add3A_522 {strides = array<i32>} : memref<2048xi32, #tpu.memory_space<vmem>>, vector<16xi32>,
    %get3A_525 = arith.constant 1120 : index
    %get3A_526 = tpu.vector_load %arg5[%get3A_525] {strides = array<i32>} : memref<2048xi32, #tpu.memory_space<vmem>>, vector<16xi32>,
    %add3A_527 = arith.constant 512 : i32
    %add3A_528 = vector.broadcast %add3A_527 : i32 to vector<16xi32>
    %add3A_529 = arith.addi %get3A_526, %add3A_528 : vector<16xi32>
    %swap3A_530 = arith.constant 1120 : index
    %swap3A_531 = tpu.vector_load %arg6[%swap3A_530] {strides = array<i32>} : memref<2048xi32, #tpu.memory_space<vmem>>, vector<16xi32>,
    tpu.vector_store %arg6[%swap3A_530], %add3A_529 {strides = array<i32>} : memref<2048xi32, #tpu.memory_space<vmem>>, vector<16xi32>,
    %get3A_532 = arith.constant 1136 : index
    %get3A_533 = tpu.vector_load %arg5[%get3A_532] {strides = array<i32>} : memref<2048xi32, #tpu.memory_space<vmem>>, vector<16xi32>,
    %add3A_534 = arith.constant 512 : i32
    %add3A_535 = vector.broadcast %add3A_534 : i32 to vector<16xi32>
    %add3A_536 = arith.addi %get3A_533, %add3A_535 : vector<16xi32>
    %swap3A_537 = arith.constant 1136 : index
    %swap3A_538 = tpu.vector_load %arg6[%swap3A_537] {strides = array<i32>} : memref<2048xi32, #tpu.memory_space<vmem>>, vector<16xi32>,
    tpu.vector_store %arg6[%swap3A_537], %add3A_536 {strides = array<i32>} : memref<2048xi32, #tpu.memory_space<vmem>>, vector<16xi32>,
    %get3A_539 = arith.constant 1152 : index
    %get3A_540 = tpu.vector_load %arg5[%get3A_539] {strides = array<i32>} : memref<2048xi32, #tpu.memory_space<vmem>>, vector<16xi32>,
    %add3A_541 = arith.constant 512 : i32
    %add3A_542 = vector.broadcast %add3A_541 : i32 to vector<16xi32>
    %add3A_543 = arith.addi %get3A_540, %add3A_542 : vector<16xi32>
    %swap3A_544 = arith.constant 1152 : index
    %swap3A_545 = tpu.vector_load %arg6[%swap3A_544] {strides = array<i32>} : memref<2048xi32, #tpu.memory_space<vmem>>, vector<16xi32>,
    tpu.vector_store %arg6[%swap3A_544], %add3A_543 {strides = array<i32>} : memref<2048xi32, #tpu.memory_space<vmem>>, vector<16xi32>,
    %get3A_546 = arith.constant 1168 : index
    %get3A_547 = tpu.vector_load %arg5[%get3A_546] {strides = array<i32>} : memref<2048xi32, #tpu.memory_space<vmem>>, vector<16xi32>,
    %add3A_548 = arith.constant 512 : i32
    %add3A_549 = vector.broadcast %add3A_548 : i32 to vector<16xi32>
    %add3A_550 = arith.addi %get3A_547, %add3A_549 : vector<16xi32>
    %swap3A_551 = arith.constant 1168 : index
    %swap3A_552 = tpu.vector_load %arg6[%swap3A_551] {strides = array<i32>} : memref<2048xi32, #tpu.memory_space<vmem>>, vector<16xi32>,
    tpu.vector_store %arg6[%swap3A_551], %add3A_550 {strides = array<i32>} : memref<2048xi32, #tpu.memory_space<vmem>>, vector<16xi32>,
    %get3A_553 = arith.constant 1184 : index
    %get3A_554 = tpu.vector_load %arg5[%get3A_553] {strides = array<i32>} : memref<2048xi32, #tpu.memory_space<vmem>>, vector<16xi32>,
    %add3A_555 = arith.constant 512 : i32
    %add3A_556 = vector.broadcast %add3A_555 : i32 to vector<16xi32>
    %add3A_557 = arith.addi %get3A_554, %add3A_556 : vector<16xi32>
    %swap3A_558 = arith.constant 1184 : index
    %swap3A_559 = tpu.vector_load %arg6[%swap3A_558] {strides = array<i32>} : memref<2048xi32, #tpu.memory_space<vmem>>, vector<16xi32>,
    tpu.vector_store %arg6[%swap3A_558], %add3A_557 {strides = array<i32>} : memref<2048xi32, #tpu.memory_space<vmem>>, vector<16xi32>,
    %get3A_560 = arith.constant 1200 : index
    %get3A_561 = tpu.vector_load %arg5[%get3A_560] {strides = array<i32>} : memref<2048xi32, #tpu.memory_space<vmem>>, vector<16xi32>,
    %add3A_562 = arith.constant 512 : i32
    %add3A_563 = vector.broadcast %add3A_562 : i32 to vector<16xi32>
    %add3A_564 = arith.addi %get3A_561, %add3A_563 : vector<16xi32>
    %swap3A_565 = arith.constant 1200 : index
    %swap3A_566 = tpu.vector_load %arg6[%swap3A_565] {strides = array<i32>} : memref<2048xi32, #tpu.memory_space<vmem>>, vector<16xi32>,
    tpu.vector_store %arg6[%swap3A_565], %add3A_564 {strides = array<i32>} : memref<2048xi32, #tpu.memory_space<vmem>>, vector<16xi32>,
    %get3A_567 = arith.constant 1216 : index
    %get3A_568 = tpu.vector_load %arg5[%get3A_567] {strides = array<i32>} : memref<2048xi32, #tpu.memory_space<vmem>>, vector<16xi32>,
    %add3A_569 = arith.constant 512 : i32
    %add3A_570 = vector.broadcast %add3A_569 : i32 to vector<16xi32>
    %add3A_571 = arith.addi %get3A_568, %add3A_570 : vector<16xi32>
    %swap3A_572 = arith.constant 1216 : index
    %swap3A_573 = tpu.vector_load %arg6[%swap3A_572] {strides = array<i32>} : memref<2048xi32, #tpu.memory_space<vmem>>, vector<16xi32>,
    tpu.vector_store %arg6[%swap3A_572], %add3A_571 {strides = array<i32>} : memref<2048xi32, #tpu.memory_space<vmem>>, vector<16xi32>,
    %get3A_574 = arith.constant 1232 : index
    %get3A_575 = tpu.vector_load %arg5[%get3A_574] {strides = array<i32>} : memref<2048xi32, #tpu.memory_space<vmem>>, vector<16xi32>,
    %add3A_576 = arith.constant 512 : i32
    %add3A_577 = vector.broadcast %add3A_576 : i32 to vector<16xi32>
    %add3A_578 = arith.addi %get3A_575, %add3A_577 : vector<16xi32>
    %swap3A_579 = arith.constant 1232 : index
    %swap3A_580 = tpu.vector_load %arg6[%swap3A_579] {strides = array<i32>} : memref<2048xi32, #tpu.memory_space<vmem>>, vector<16xi32>,
    tpu.vector_store %arg6[%swap3A_579], %add3A_578 {strides = array<i32>} : memref<2048xi32, #tpu.memory_space<vmem>>, vector<16xi32>,
    %get3A_581 = arith.constant 1248 : index
    %get3A_582 = tpu.vector_load %arg5[%get3A_581] {strides = array<i32>} : memref<2048xi32, #tpu.memory_space<vmem>>, vector<16xi32>,
    %add3A_583 = arith.constant 512 : i32
    %add3A_584 = vector.broadcast %add3A_583 : i32 to vector<16xi32>
    %add3A_585 = arith.addi %get3A_582, %add3A_584 : vector<16xi32>
    %swap3A_586 = arith.constant 1248 : index
    %swap3A_587 = tpu.vector_load %arg6[%swap3A_586] {strides = array<i32>} : memref<2048xi32, #tpu.memory_space<vmem>>, vector<16xi32>,
    tpu.vector_store %arg6[%swap3A_586], %add3A_585 {strides = array<i32>} : memref<2048xi32, #tpu.memory_space<vmem>>, vector<16xi32>,
    %get3A_588 = arith.constant 1264 : index
    %get3A_589 = tpu.vector_load %arg5[%get3A_588] {strides = array<i32>} : memref<2048xi32, #tpu.memory_space<vmem>>, vector<16xi32>,
    %add3A_590 = arith.constant 512 : i32
    %add3A_591 = vector.broadcast %add3A_590 : i32 to vector<16xi32>
    %add3A_592 = arith.addi %get3A_589, %add3A_591 : vector<16xi32>
    %swap3A_593 = arith.constant 1264 : index
    %swap3A_594 = tpu.vector_load %arg6[%swap3A_593] {strides = array<i32>} : memref<2048xi32, #tpu.memory_space<vmem>>, vector<16xi32>,
    tpu.vector_store %arg6[%swap3A_593], %add3A_592 {strides = array<i32>} : memref<2048xi32, #tpu.memory_space<vmem>>, vector<16xi32>,
    %get3A_595 = arith.constant 1280 : index
    %get3A_596 = tpu.vector_load %arg5[%get3A_595] {strides = array<i32>} : memref<2048xi32, #tpu.memory_space<vmem>>, vector<16xi32>,
    %add3A_597 = arith.constant 512 : i32
    %add3A_598 = vector.broadcast %add3A_597 : i32 to vector<16xi32>
    %add3A_599 = arith.addi %get3A_596, %add3A_598 : vector<16xi32>
    %swap3A_600 = arith.constant 1280 : index
    %swap3A_601 = tpu.vector_load %arg6[%swap3A_600] {strides = array<i32>} : memref<2048xi32, #tpu.memory_space<vmem>>, vector<16xi32>,
    tpu.vector_store %arg6[%swap3A_600], %add3A_599 {strides = array<i32>} : memref<2048xi32, #tpu.memory_space<vmem>>, vector<16xi32>,
    %get3A_602 = arith.constant 1296 : index
    %get3A_603 = tpu.vector_load %arg5[%get3A_602] {strides = array<i32>} : memref<2048xi32, #tpu.memory_space<vmem>>, vector<16xi32>,
    %add3A_604 = arith.constant 512 : i32
    %add3A_605 = vector.broadcast %add3A_604 : i32 to vector<16xi32>
    %add3A_606 = arith.addi %get3A_603, %add3A_605 : vector<16xi32>
    %swap3A_607 = arith.constant 1296 : index
    %swap3A_608 = tpu.vector_load %arg6[%swap3A_607] {strides = array<i32>} : memref<2048xi32, #tpu.memory_space<vmem>>, vector<16xi32>,
    tpu.vector_store %arg6[%swap3A_607], %add3A_606 {strides = array<i32>} : memref<2048xi32, #tpu.memory_space<vmem>>, vector<16xi32>,
    %get3A_609 = arith.constant 1312 : index
    %get3A_610 = tpu.vector_load %arg5[%get3A_609] {strides = array<i32>} : memref<2048xi32, #tpu.memory_space<vmem>>, vector<16xi32>,
    %add3A_611 = arith.constant 512 : i32
    %add3A_612 = vector.broadcast %add3A_611 : i32 to vector<16xi32>
    %add3A_613 = arith.addi %get3A_610, %add3A_612 : vector<16xi32>
    %swap3A_614 = arith.constant 1312 : index
    %swap3A_615 = tpu.vector_load %arg6[%swap3A_614] {strides = array<i32>} : memref<2048xi32, #tpu.memory_space<vmem>>, vector<16xi32>,
    tpu.vector_store %arg6[%swap3A_614], %add3A_613 {strides = array<i32>} : memref<2048xi32, #tpu.memory_space<vmem>>, vector<16xi32>,
    %get3A_616 = arith.constant 1328 : index
    %get3A_617 = tpu.vector_load %arg5[%get3A_616] {strides = array<i32>} : memref<2048xi32, #tpu.memory_space<vmem>>, vector<16xi32>,
    %add3A_618 = arith.constant 512 : i32
    %add3A_619 = vector.broadcast %add3A_618 : i32 to vector<16xi32>
    %add3A_620 = arith.addi %get3A_617, %add3A_619 : vector<16xi32>
    %swap3A_621 = arith.constant 1328 : index
    %swap3A_622 = tpu.vector_load %arg6[%swap3A_621] {strides = array<i32>} : memref<2048xi32, #tpu.memory_space<vmem>>, vector<16xi32>,
    tpu.vector_store %arg6[%swap3A_621], %add3A_620 {strides = array<i32>} : memref<2048xi32, #tpu.memory_space<vmem>>, vector<16xi32>,
    %get3A_623 = arith.constant 1344 : index
    %get3A_624 = tpu.vector_load %arg5[%get3A_623] {strides = array<i32>} : memref<2048xi32, #tpu.memory_space<vmem>>, vector<16xi32>,
    %add3A_625 = arith.constant 512 : i32
    %add3A_626 = vector.broadcast %add3A_625 : i32 to vector<16xi32>
    %add3A_627 = arith.addi %get3A_624, %add3A_626 : vector<16xi32>
    %swap3A_628 = arith.constant 1344 : index
    %swap3A_629 = tpu.vector_load %arg6[%swap3A_628] {strides = array<i32>} : memref<2048xi32, #tpu.memory_space<vmem>>, vector<16xi32>,
    tpu.vector_store %arg6[%swap3A_628], %add3A_627 {strides = array<i32>} : memref<2048xi32, #tpu.memory_space<vmem>>, vector<16xi32>,
    %get3A_630 = arith.constant 1360 : index
    %get3A_631 = tpu.vector_load %arg5[%get3A_630] {strides = array<i32>} : memref<2048xi32, #tpu.memory_space<vmem>>, vector<16xi32>,
    %add3A_632 = arith.constant 512 : i32
    %add3A_633 = vector.broadcast %add3A_632 : i32 to vector<16xi32>
    %add3A_634 = arith.addi %get3A_631, %add3A_633 : vector<16xi32>
    %swap3A_635 = arith.constant 1360 : index
    %swap3A_636 = tpu.vector_load %arg6[%swap3A_635] {strides = array<i32>} : memref<2048xi32, #tpu.memory_space<vmem>>, vector<16xi32>,
    tpu.vector_store %arg6[%swap3A_635], %add3A_634 {strides = array<i32>} : memref<2048xi32, #tpu.memory_space<vmem>>, vector<16xi32>,
    %get3A_637 = arith.constant 1376 : index
    %get3A_638 = tpu.vector_load %arg5[%get3A_637] {strides = array<i32>} : memref<2048xi32, #tpu.memory_space<vmem>>, vector<16xi32>,
    %add3A_639 = arith.constant 512 : i32
    %add3A_640 = vector.broadcast %add3A_639 : i32 to vector<16xi32>
    %add3A_641 = arith.addi %get3A_638, %add3A_640 : vector<16xi32>
    %swap3A_642 = arith.constant 1376 : index
    %swap3A_643 = tpu.vector_load %arg6[%swap3A_642] {strides = array<i32>} : memref<2048xi32, #tpu.memory_space<vmem>>, vector<16xi32>,
    tpu.vector_store %arg6[%swap3A_642], %add3A_641 {strides = array<i32>} : memref<2048xi32, #tpu.memory_space<vmem>>, vector<16xi32>,
    %get3A_644 = arith.constant 1392 : index
    %get3A_645 = tpu.vector_load %arg5[%get3A_644] {strides = array<i32>} : memref<2048xi32, #tpu.memory_space<vmem>>, vector<16xi32>,
    %add3A_646 = arith.constant 512 : i32
    %add3A_647 = vector.broadcast %add3A_646 : i32 to vector<16xi32>
    %add3A_648 = arith.addi %get3A_645, %add3A_647 : vector<16xi32>
    %swap3A_649 = arith.constant 1392 : index
    %swap3A_650 = tpu.vector_load %arg6[%swap3A_649] {strides = array<i32>} : memref<2048xi32, #tpu.memory_space<vmem>>, vector<16xi32>,
    tpu.vector_store %arg6[%swap3A_649], %add3A_648 {strides = array<i32>} : memref<2048xi32, #tpu.memory_space<vmem>>, vector<16xi32>,
    %get3A_651 = arith.constant 1408 : index
    %get3A_652 = tpu.vector_load %arg5[%get3A_651] {strides = array<i32>} : memref<2048xi32, #tpu.memory_space<vmem>>, vector<16xi32>,
    %add3A_653 = arith.constant 512 : i32
    %add3A_654 = vector.broadcast %add3A_653 : i32 to vector<16xi32>
    %add3A_655 = arith.addi %get3A_652, %add3A_654 : vector<16xi32>
    %swap3A_656 = arith.constant 1408 : index
    %swap3A_657 = tpu.vector_load %arg6[%swap3A_656] {strides = array<i32>} : memref<2048xi32, #tpu.memory_space<vmem>>, vector<16xi32>,
    tpu.vector_store %arg6[%swap3A_656], %add3A_655 {strides = array<i32>} : memref<2048xi32, #tpu.memory_space<vmem>>, vector<16xi32>,
    %get3A_658 = arith.constant 1424 : index
    %get3A_659 = tpu.vector_load %arg5[%get3A_658] {strides = array<i32>} : memref<2048xi32, #tpu.memory_space<vmem>>, vector<16xi32>,
    %add3A_660 = arith.constant 512 : i32
    %add3A_661 = vector.broadcast %add3A_660 : i32 to vector<16xi32>
    %add3A_662 = arith.addi %get3A_659, %add3A_661 : vector<16xi32>
    %swap3A_663 = arith.constant 1424 : index
    %swap3A_664 = tpu.vector_load %arg6[%swap3A_663] {strides = array<i32>} : memref<2048xi32, #tpu.memory_space<vmem>>, vector<16xi32>,
    tpu.vector_store %arg6[%swap3A_663], %add3A_662 {strides = array<i32>} : memref<2048xi32, #tpu.memory_space<vmem>>, vector<16xi32>,
    %get3A_665 = arith.constant 1440 : index
    %get3A_666 = tpu.vector_load %arg5[%get3A_665] {strides = array<i32>} : memref<2048xi32, #tpu.memory_space<vmem>>, vector<16xi32>,
    %add3A_667 = arith.constant 512 : i32
    %add3A_668 = vector.broadcast %add3A_667 : i32 to vector<16xi32>
    %add3A_669 = arith.addi %get3A_666, %add3A_668 : vector<16xi32>
    %swap3A_670 = arith.constant 1440 : index
    %swap3A_671 = tpu.vector_load %arg6[%swap3A_670] {strides = array<i32>} : memref<2048xi32, #tpu.memory_space<vmem>>, vector<16xi32>,
    tpu.vector_store %arg6[%swap3A_670], %add3A_669 {strides = array<i32>} : memref<2048xi32, #tpu.memory_space<vmem>>, vector<16xi32>,
    %get3A_672 = arith.constant 1456 : index
    %get3A_673 = tpu.vector_load %arg5[%get3A_672] {strides = array<i32>} : memref<2048xi32, #tpu.memory_space<vmem>>, vector<16xi32>,
    %add3A_674 = arith.constant 512 : i32
    %add3A_675 = vector.broadcast %add3A_674 : i32 to vector<16xi32>
    %add3A_676 = arith.addi %get3A_673, %add3A_675 : vector<16xi32>
    %swap3A_677 = arith.constant 1456 : index
    %swap3A_678 = tpu.vector_load %arg6[%swap3A_677] {strides = array<i32>} : memref<2048xi32, #tpu.memory_space<vmem>>, vector<16xi32>,
    tpu.vector_store %arg6[%swap3A_677], %add3A_676 {strides = array<i32>} : memref<2048xi32, #tpu.memory_space<vmem>>, vector<16xi32>,
    %get3A_679 = arith.constant 1472 : index
    %get3A_680 = tpu.vector_load %arg5[%get3A_679] {strides = array<i32>} : memref<2048xi32, #tpu.memory_space<vmem>>, vector<16xi32>,
    %add3A_681 = arith.constant 512 : i32
    %add3A_682 = vector.broadcast %add3A_681 : i32 to vector<16xi32>
    %add3A_683 = arith.addi %get3A_680, %add3A_682 : vector<16xi32>
    %swap3A_684 = arith.constant 1472 : index
    %swap3A_685 = tpu.vector_load %arg6[%swap3A_684] {strides = array<i32>} : memref<2048xi32, #tpu.memory_space<vmem>>, vector<16xi32>,
    tpu.vector_store %arg6[%swap3A_684], %add3A_683 {strides = array<i32>} : memref<2048xi32, #tpu.memory_space<vmem>>, vector<16xi32>,
    %get3A_686 = arith.constant 1488 : index
    %get3A_687 = tpu.vector_load %arg5[%get3A_686] {strides = array<i32>} : memref<2048xi32, #tpu.memory_space<vmem>>, vector<16xi32>,
    %add3A_688 = arith.constant 512 : i32
    %add3A_689 = vector.broadcast %add3A_688 : i32 to vector<16xi32>
    %add3A_690 = arith.addi %get3A_687, %add3A_689 : vector<16xi32>
    %swap3A_691 = arith.constant 1488 : index
    %swap3A_692 = tpu.vector_load %arg6[%swap3A_691] {strides = array<i32>} : memref<2048xi32, #tpu.memory_space<vmem>>, vector<16xi32>,
    tpu.vector_store %arg6[%swap3A_691], %add3A_690 {strides = array<i32>} : memref<2048xi32, #tpu.memory_space<vmem>>, vector<16xi32>,
    %get3A_693 = arith.constant 1504 : index
    %get3A_694 = tpu.vector_load %arg5[%get3A_693] {strides = array<i32>} : memref<2048xi32, #tpu.memory_space<vmem>>, vector<16xi32>,
    %add3A_695 = arith.constant 512 : i32
    %add3A_696 = vector.broadcast %add3A_695 : i32 to vector<16xi32>
    %add3A_697 = arith.addi %get3A_694, %add3A_696 : vector<16xi32>
    %swap3A_698 = arith.constant 1504 : index
    %swap3A_699 = tpu.vector_load %arg6[%swap3A_698] {strides = array<i32>} : memref<2048xi32, #tpu.memory_space<vmem>>, vector<16xi32>,
    tpu.vector_store %arg6[%swap3A_698], %add3A_697 {strides = array<i32>} : memref<2048xi32, #tpu.memory_space<vmem>>, vector<16xi32>,
    %get3A_700 = arith.constant 1520 : index
    %get3A_701 = tpu.vector_load %arg5[%get3A_700] {strides = array<i32>} : memref<2048xi32, #tpu.memory_space<vmem>>, vector<16xi32>,
    %add3A_702 = arith.constant 512 : i32
    %add3A_703 = vector.broadcast %add3A_702 : i32 to vector<16xi32>
    %add3A_704 = arith.addi %get3A_701, %add3A_703 : vector<16xi32>
    %swap3A_705 = arith.constant 1520 : index
    %swap3A_706 = tpu.vector_load %arg6[%swap3A_705] {strides = array<i32>} : memref<2048xi32, #tpu.memory_space<vmem>>, vector<16xi32>,
    tpu.vector_store %arg6[%swap3A_705], %add3A_704 {strides = array<i32>} : memref<2048xi32, #tpu.memory_space<vmem>>, vector<16xi32>,
    %get3A_707 = arith.constant 1536 : index
    %get3A_708 = tpu.vector_load %arg5[%get3A_707] {strides = array<i32>} : memref<2048xi32, #tpu.memory_space<vmem>>, vector<16xi32>,
    %add3A_709 = arith.constant 768 : i32
    %add3A_710 = vector.broadcast %add3A_709 : i32 to vector<16xi32>
    %add3A_711 = arith.addi %get3A_708, %add3A_710 : vector<16xi32>
    %swap3A_712 = arith.constant 1536 : index
    %swap3A_713 = tpu.vector_load %arg6[%swap3A_712] {strides = array<i32>} : memref<2048xi32, #tpu.memory_space<vmem>>, vector<16xi32>,
    tpu.vector_store %arg6[%swap3A_712], %add3A_711 {strides = array<i32>} : memref<2048xi32, #tpu.memory_space<vmem>>, vector<16xi32>,
    %get3A_714 = arith.constant 1552 : index
    %get3A_715 = tpu.vector_load %arg5[%get3A_714] {strides = array<i32>} : memref<2048xi32, #tpu.memory_space<vmem>>, vector<16xi32>,
    %add3A_716 = arith.constant 768 : i32
    %add3A_717 = vector.broadcast %add3A_716 : i32 to vector<16xi32>
    %add3A_718 = arith.addi %get3A_715, %add3A_717 : vector<16xi32>
    %swap3A_719 = arith.constant 1552 : index
    %swap3A_720 = tpu.vector_load %arg6[%swap3A_719] {strides = array<i32>} : memref<2048xi32, #tpu.memory_space<vmem>>, vector<16xi32>,
    tpu.vector_store %arg6[%swap3A_719], %add3A_718 {strides = array<i32>} : memref<2048xi32, #tpu.memory_space<vmem>>, vector<16xi32>,
    %get3A_721 = arith.constant 1568 : index
    %get3A_722 = tpu.vector_load %arg5[%get3A_721] {strides = array<i32>} : memref<2048xi32, #tpu.memory_space<vmem>>, vector<16xi32>,
    %add3A_723 = arith.constant 768 : i32
    %add3A_724 = vector.broadcast %add3A_723 : i32 to vector<16xi32>
    %add3A_725 = arith.addi %get3A_722, %add3A_724 : vector<16xi32>
    %swap3A_726 = arith.constant 1568 : index
    %swap3A_727 = tpu.vector_load %arg6[%swap3A_726] {strides = array<i32>} : memref<2048xi32, #tpu.memory_space<vmem>>, vector<16xi32>,
    tpu.vector_store %arg6[%swap3A_726], %add3A_725 {strides = array<i32>} : memref<2048xi32, #tpu.memory_space<vmem>>, vector<16xi32>,
    %get3A_728 = arith.constant 1584 : index
    %get3A_729 = tpu.vector_load %arg5[%get3A_728] {strides = array<i32>} : memref<2048xi32, #tpu.memory_space<vmem>>, vector<16xi32>,
    %add3A_730 = arith.constant 768 : i32
    %add3A_731 = vector.broadcast %add3A_730 : i32 to vector<16xi32>
    %add3A_732 = arith.addi %get3A_729, %add3A_731 : vector<16xi32>
    %swap3A_733 = arith.constant 1584 : index
    %swap3A_734 = tpu.vector_load %arg6[%swap3A_733] {strides = array<i32>} : memref<2048xi32, #tpu.memory_space<vmem>>, vector<16xi32>,
    tpu.vector_store %arg6[%swap3A_733], %add3A_732 {strides = array<i32>} : memref<2048xi32, #tpu.memory_space<vmem>>, vector<16xi32>,
    %get3A_735 = arith.constant 1600 : index
    %get3A_736 = tpu.vector_load %arg5[%get3A_735] {strides = array<i32>} : memref<2048xi32, #tpu.memory_space<vmem>>, vector<16xi32>,
    %add3A_737 = arith.constant 768 : i32
    %add3A_738 = vector.broadcast %add3A_737 : i32 to vector<16xi32>
    %add3A_739 = arith.addi %get3A_736, %add3A_738 : vector<16xi32>
    %swap3A_740 = arith.constant 1600 : index
    %swap3A_741 = tpu.vector_load %arg6[%swap3A_740] {strides = array<i32>} : memref<2048xi32, #tpu.memory_space<vmem>>, vector<16xi32>,
    tpu.vector_store %arg6[%swap3A_740], %add3A_739 {strides = array<i32>} : memref<2048xi32, #tpu.memory_space<vmem>>, vector<16xi32>,
    %get3A_742 = arith.constant 1616 : index
    %get3A_743 = tpu.vector_load %arg5[%get3A_742] {strides = array<i32>} : memref<2048xi32, #tpu.memory_space<vmem>>, vector<16xi32>,
    %add3A_744 = arith.constant 768 : i32
    %add3A_745 = vector.broadcast %add3A_744 : i32 to vector<16xi32>
    %add3A_746 = arith.addi %get3A_743, %add3A_745 : vector<16xi32>
    %swap3A_747 = arith.constant 1616 : index
    %swap3A_748 = tpu.vector_load %arg6[%swap3A_747] {strides = array<i32>} : memref<2048xi32, #tpu.memory_space<vmem>>, vector<16xi32>,
    tpu.vector_store %arg6[%swap3A_747], %add3A_746 {strides = array<i32>} : memref<2048xi32, #tpu.memory_space<vmem>>, vector<16xi32>,
    %get3A_749 = arith.constant 1632 : index
    %get3A_750 = tpu.vector_load %arg5[%get3A_749] {strides = array<i32>} : memref<2048xi32, #tpu.memory_space<vmem>>, vector<16xi32>,
    %add3A_751 = arith.constant 768 : i32
    %add3A_752 = vector.broadcast %add3A_751 : i32 to vector<16xi32>
    %add3A_753 = arith.addi %get3A_750, %add3A_752 : vector<16xi32>
    %swap3A_754 = arith.constant 1632 : index
    %swap3A_755 = tpu.vector_load %arg6[%swap3A_754] {strides = array<i32>} : memref<2048xi32, #tpu.memory_space<vmem>>, vector<16xi32>,
    tpu.vector_store %arg6[%swap3A_754], %add3A_753 {strides = array<i32>} : memref<2048xi32, #tpu.memory_space<vmem>>, vector<16xi32>,
    %get3A_756 = arith.constant 1648 : index
    %get3A_757 = tpu.vector_load %arg5[%get3A_756] {strides = array<i32>} : memref<2048xi32, #tpu.memory_space<vmem>>, vector<16xi32>,
    %add3A_758 = arith.constant 768 : i32
    %add3A_759 = vector.broadcast %add3A_758 : i32 to vector<16xi32>
    %add3A_760 = arith.addi %get3A_757, %add3A_759 : vector<16xi32>
    %swap3A_761 = arith.constant 1648 : index
    %swap3A_762 = tpu.vector_load %arg6[%swap3A_761] {strides = array<i32>} : memref<2048xi32, #tpu.memory_space<vmem>>, vector<16xi32>,
    tpu.vector_store %arg6[%swap3A_761], %add3A_760 {strides = array<i32>} : memref<2048xi32, #tpu.memory_space<vmem>>, vector<16xi32>,
    %get3A_763 = arith.constant 1664 : index
    %get3A_764 = tpu.vector_load %arg5[%get3A_763] {strides = array<i32>} : memref<2048xi32, #tpu.memory_space<vmem>>, vector<16xi32>,
    %add3A_765 = arith.constant 768 : i32
    %add3A_766 = vector.broadcast %add3A_765 : i32 to vector<16xi32>
    %add3A_767 = arith.addi %get3A_764, %add3A_766 : vector<16xi32>
    %swap3A_768 = arith.constant 1664 : index
    %swap3A_769 = tpu.vector_load %arg6[%swap3A_768] {strides = array<i32>} : memref<2048xi32, #tpu.memory_space<vmem>>, vector<16xi32>,
    tpu.vector_store %arg6[%swap3A_768], %add3A_767 {strides = array<i32>} : memref<2048xi32, #tpu.memory_space<vmem>>, vector<16xi32>,
    %get3A_770 = arith.constant 1680 : index
    %get3A_771 = tpu.vector_load %arg5[%get3A_770] {strides = array<i32>} : memref<2048xi32, #tpu.memory_space<vmem>>, vector<16xi32>,
    %add3A_772 = arith.constant 768 : i32
    %add3A_773 = vector.broadcast %add3A_772 : i32 to vector<16xi32>
    %add3A_774 = arith.addi %get3A_771, %add3A_773 : vector<16xi32>
    %swap3A_775 = arith.constant 1680 : index
    %swap3A_776 = tpu.vector_load %arg6[%swap3A_775] {strides = array<i32>} : memref<2048xi32, #tpu.memory_space<vmem>>, vector<16xi32>,
    tpu.vector_store %arg6[%swap3A_775], %add3A_774 {strides = array<i32>} : memref<2048xi32, #tpu.memory_space<vmem>>, vector<16xi32>,
    %get3A_777 = arith.constant 1696 : index
    %get3A_778 = tpu.vector_load %arg5[%get3A_777] {strides = array<i32>} : memref<2048xi32, #tpu.memory_space<vmem>>, vector<16xi32>,
    %add3A_779 = arith.constant 768 : i32
    %add3A_780 = vector.broadcast %add3A_779 : i32 to vector<16xi32>
    %add3A_781 = arith.addi %get3A_778, %add3A_780 : vector<16xi32>
    %swap3A_782 = arith.constant 1696 : index
    %swap3A_783 = tpu.vector_load %arg6[%swap3A_782] {strides = array<i32>} : memref<2048xi32, #tpu.memory_space<vmem>>, vector<16xi32>,
    tpu.vector_store %arg6[%swap3A_782], %add3A_781 {strides = array<i32>} : memref<2048xi32, #tpu.memory_space<vmem>>, vector<16xi32>,
    %get3A_784 = arith.constant 1712 : index
    %get3A_785 = tpu.vector_load %arg5[%get3A_784] {strides = array<i32>} : memref<2048xi32, #tpu.memory_space<vmem>>, vector<16xi32>,
    %add3A_786 = arith.constant 768 : i32
    %add3A_787 = vector.broadcast %add3A_786 : i32 to vector<16xi32>
    %add3A_788 = arith.addi %get3A_785, %add3A_787 : vector<16xi32>
    %swap3A_789 = arith.constant 1712 : index
    %swap3A_790 = tpu.vector_load %arg6[%swap3A_789] {strides = array<i32>} : memref<2048xi32, #tpu.memory_space<vmem>>, vector<16xi32>,
    tpu.vector_store %arg6[%swap3A_789], %add3A_788 {strides = array<i32>} : memref<2048xi32, #tpu.memory_space<vmem>>, vector<16xi32>,
    %get3A_791 = arith.constant 1728 : index
    %get3A_792 = tpu.vector_load %arg5[%get3A_791] {strides = array<i32>} : memref<2048xi32, #tpu.memory_space<vmem>>, vector<16xi32>,
    %add3A_793 = arith.constant 768 : i32
    %add3A_794 = vector.broadcast %add3A_793 : i32 to vector<16xi32>
    %add3A_795 = arith.addi %get3A_792, %add3A_794 : vector<16xi32>
    %swap3A_796 = arith.constant 1728 : index
    %swap3A_797 = tpu.vector_load %arg6[%swap3A_796] {strides = array<i32>} : memref<2048xi32, #tpu.memory_space<vmem>>, vector<16xi32>,
    tpu.vector_store %arg6[%swap3A_796], %add3A_795 {strides = array<i32>} : memref<2048xi32, #tpu.memory_space<vmem>>, vector<16xi32>,
    %get3A_798 = arith.constant 1744 : index
    %get3A_799 = tpu.vector_load %arg5[%get3A_798] {strides = array<i32>} : memref<2048xi32, #tpu.memory_space<vmem>>, vector<16xi32>,
    %add3A_800 = arith.constant 768 : i32
    %add3A_801 = vector.broadcast %add3A_800 : i32 to vector<16xi32>
    %add3A_802 = arith.addi %get3A_799, %add3A_801 : vector<16xi32>
    %swap3A_803 = arith.constant 1744 : index
    %swap3A_804 = tpu.vector_load %arg6[%swap3A_803] {strides = array<i32>} : memref<2048xi32, #tpu.memory_space<vmem>>, vector<16xi32>,
    tpu.vector_store %arg6[%swap3A_803], %add3A_802 {strides = array<i32>} : memref<2048xi32, #tpu.memory_space<vmem>>, vector<16xi32>,
    %get3A_805 = arith.constant 1760 : index
    %get3A_806 = tpu.vector_load %arg5[%get3A_805] {strides = array<i32>} : memref<2048xi32, #tpu.memory_space<vmem>>, vector<16xi32>,
    %add3A_807 = arith.constant 768 : i32
    %add3A_808 = vector.broadcast %add3A_807 : i32 to vector<16xi32>
    %add3A_809 = arith.addi %get3A_806, %add3A_808 : vector<16xi32>
    %swap3A_810 = arith.constant 1760 : index
    %swap3A_811 = tpu.vector_load %arg6[%swap3A_810] {strides = array<i32>} : memref<2048xi32, #tpu.memory_space<vmem>>, vector<16xi32>,
    tpu.vector_store %arg6[%swap3A_810], %add3A_809 {strides = array<i32>} : memref<2048xi32, #tpu.memory_space<vmem>>, vector<16xi32>,
    %get3A_812 = arith.constant 1776 : index
    %get3A_813 = tpu.vector_load %arg5[%get3A_812] {strides = array<i32>} : memref<2048xi32, #tpu.memory_space<vmem>>, vector<16xi32>,
    %add3A_814 = arith.constant 768 : i32
    %add3A_815 = vector.broadcast %add3A_814 : i32 to vector<16xi32>
    %add3A_816 = arith.addi %get3A_813, %add3A_815 : vector<16xi32>
    %swap3A_817 = arith.constant 1776 : index
    %swap3A_818 = tpu.vector_load %arg6[%swap3A_817] {strides = array<i32>} : memref<2048xi32, #tpu.memory_space<vmem>>, vector<16xi32>,
    tpu.vector_store %arg6[%swap3A_817], %add3A_816 {strides = array<i32>} : memref<2048xi32, #tpu.memory_space<vmem>>, vector<16xi32>,
    %get3A_819 = arith.constant 1792 : index
    %get3A_820 = tpu.vector_load %arg5[%get3A_819] {strides = array<i32>} : memref<2048xi32, #tpu.memory_space<vmem>>, vector<16xi32>,
    %add3A_821 = arith.constant 768 : i32
    %add3A_822 = vector.broadcast %add3A_821 : i32 to vector<16xi32>
    %add3A_823 = arith.addi %get3A_820, %add3A_822 : vector<16xi32>
    %swap3A_824 = arith.constant 1792 : index
    %swap3A_825 = tpu.vector_load %arg6[%swap3A_824] {strides = array<i32>} : memref<2048xi32, #tpu.memory_space<vmem>>, vector<16xi32>,
    tpu.vector_store %arg6[%swap3A_824], %add3A_823 {strides = array<i32>} : memref<2048xi32, #tpu.memory_space<vmem>>, vector<16xi32>,
    %get3A_826 = arith.constant 1808 : index
    %get3A_827 = tpu.vector_load %arg5[%get3A_826] {strides = array<i32>} : memref<2048xi32, #tpu.memory_space<vmem>>, vector<16xi32>,
    %add3A_828 = arith.constant 768 : i32
    %add3A_829 = vector.broadcast %add3A_828 : i32 to vector<16xi32>
    %add3A_830 = arith.addi %get3A_827, %add3A_829 : vector<16xi32>
    %swap3A_831 = arith.constant 1808 : index
    %swap3A_832 = tpu.vector_load %arg6[%swap3A_831] {strides = array<i32>} : memref<2048xi32, #tpu.memory_space<vmem>>, vector<16xi32>,
    tpu.vector_store %arg6[%swap3A_831], %add3A_830 {strides = array<i32>} : memref<2048xi32, #tpu.memory_space<vmem>>, vector<16xi32>,
    %get3A_833 = arith.constant 1824 : index
    %get3A_834 = tpu.vector_load %arg5[%get3A_833] {strides = array<i32>} : memref<2048xi32, #tpu.memory_space<vmem>>, vector<16xi32>,
    %add3A_835 = arith.constant 768 : i32
    %add3A_836 = vector.broadcast %add3A_835 : i32 to vector<16xi32>
    %add3A_837 = arith.addi %get3A_834, %add3A_836 : vector<16xi32>
    %swap3A_838 = arith.constant 1824 : index
    %swap3A_839 = tpu.vector_load %arg6[%swap3A_838] {strides = array<i32>} : memref<2048xi32, #tpu.memory_space<vmem>>, vector<16xi32>,
    tpu.vector_store %arg6[%swap3A_838], %add3A_837 {strides = array<i32>} : memref<2048xi32, #tpu.memory_space<vmem>>, vector<16xi32>,
    %get3A_840 = arith.constant 1840 : index
    %get3A_841 = tpu.vector_load %arg5[%get3A_840] {strides = array<i32>} : memref<2048xi32, #tpu.memory_space<vmem>>, vector<16xi32>,
    %add3A_842 = arith.constant 768 : i32
    %add3A_843 = vector.broadcast %add3A_842 : i32 to vector<16xi32>
    %add3A_844 = arith.addi %get3A_841, %add3A_843 : vector<16xi32>
    %swap3A_845 = arith.constant 1840 : index
    %swap3A_846 = tpu.vector_load %arg6[%swap3A_845] {strides = array<i32>} : memref<2048xi32, #tpu.memory_space<vmem>>, vector<16xi32>,
    tpu.vector_store %arg6[%swap3A_845], %add3A_844 {strides = array<i32>} : memref<2048xi32, #tpu.memory_space<vmem>>, vector<16xi32>,
    %get3A_847 = arith.constant 1856 : index
    %get3A_848 = tpu.vector_load %arg5[%get3A_847] {strides = array<i32>} : memref<2048xi32, #tpu.memory_space<vmem>>, vector<16xi32>,
    %add3A_849 = arith.constant 768 : i32
    %add3A_850 = vector.broadcast %add3A_849 : i32 to vector<16xi32>
    %add3A_851 = arith.addi %get3A_848, %add3A_850 : vector<16xi32>
    %swap3A_852 = arith.constant 1856 : index
    %swap3A_853 = tpu.vector_load %arg6[%swap3A_852] {strides = array<i32>} : memref<2048xi32, #tpu.memory_space<vmem>>, vector<16xi32>,
    tpu.vector_store %arg6[%swap3A_852], %add3A_851 {strides = array<i32>} : memref<2048xi32, #tpu.memory_space<vmem>>, vector<16xi32>,
    %get3A_854 = arith.constant 1872 : index
    %get3A_855 = tpu.vector_load %arg5[%get3A_854] {strides = array<i32>} : memref<2048xi32, #tpu.memory_space<vmem>>, vector<16xi32>,
    %add3A_856 = arith.constant 768 : i32
    %add3A_857 = vector.broadcast %add3A_856 : i32 to vector<16xi32>
    %add3A_858 = arith.addi %get3A_855, %add3A_857 : vector<16xi32>
    %swap3A_859 = arith.constant 1872 : index
    %swap3A_860 = tpu.vector_load %arg6[%swap3A_859] {strides = array<i32>} : memref<2048xi32, #tpu.memory_space<vmem>>, vector<16xi32>,
    tpu.vector_store %arg6[%swap3A_859], %add3A_858 {strides = array<i32>} : memref<2048xi32, #tpu.memory_space<vmem>>, vector<16xi32>,
    %get3A_861 = arith.constant 1888 : index
    %get3A_862 = tpu.vector_load %arg5[%get3A_861] {strides = array<i32>} : memref<2048xi32, #tpu.memory_space<vmem>>, vector<16xi32>,
    %add3A_863 = arith.constant 768 : i32
    %add3A_864 = vector.broadcast %add3A_863 : i32 to vector<16xi32>
    %add3A_865 = arith.addi %get3A_862, %add3A_864 : vector<16xi32>
    %swap3A_866 = arith.constant 1888 : index
    %swap3A_867 = tpu.vector_load %arg6[%swap3A_866] {strides = array<i32>} : memref<2048xi32, #tpu.memory_space<vmem>>, vector<16xi32>,
    tpu.vector_store %arg6[%swap3A_866], %add3A_865 {strides = array<i32>} : memref<2048xi32, #tpu.memory_space<vmem>>, vector<16xi32>,
    %get3A_868 = arith.constant 1904 : index
    %get3A_869 = tpu.vector_load %arg5[%get3A_868] {strides = array<i32>} : memref<2048xi32, #tpu.memory_space<vmem>>, vector<16xi32>,
    %add3A_870 = arith.constant 768 : i32
    %add3A_871 = vector.broadcast %add3A_870 : i32 to vector<16xi32>
    %add3A_872 = arith.addi %get3A_869, %add3A_871 : vector<16xi32>
    %swap3A_873 = arith.constant 1904 : index
    %swap3A_874 = tpu.vector_load %arg6[%swap3A_873] {strides = array<i32>} : memref<2048xi32, #tpu.memory_space<vmem>>, vector<16xi32>,
    tpu.vector_store %arg6[%swap3A_873], %add3A_872 {strides = array<i32>} : memref<2048xi32, #tpu.memory_space<vmem>>, vector<16xi32>,
    %get3A_875 = arith.constant 1920 : index
    %get3A_876 = tpu.vector_load %arg5[%get3A_875] {strides = array<i32>} : memref<2048xi32, #tpu.memory_space<vmem>>, vector<16xi32>,
    %add3A_877 = arith.constant 768 : i32
    %add3A_878 = vector.broadcast %add3A_877 : i32 to vector<16xi32>
    %add3A_879 = arith.addi %get3A_876, %add3A_878 : vector<16xi32>
    %swap3A_880 = arith.constant 1920 : index
    %swap3A_881 = tpu.vector_load %arg6[%swap3A_880] {strides = array<i32>} : memref<2048xi32, #tpu.memory_space<vmem>>, vector<16xi32>,
    tpu.vector_store %arg6[%swap3A_880], %add3A_879 {strides = array<i32>} : memref<2048xi32, #tpu.memory_space<vmem>>, vector<16xi32>,
    %get3A_882 = arith.constant 1936 : index
    %get3A_883 = tpu.vector_load %arg5[%get3A_882] {strides = array<i32>} : memref<2048xi32, #tpu.memory_space<vmem>>, vector<16xi32>,
    %add3A_884 = arith.constant 768 : i32
    %add3A_885 = vector.broadcast %add3A_884 : i32 to vector<16xi32>
    %add3A_886 = arith.addi %get3A_883, %add3A_885 : vector<16xi32>
    %swap3A_887 = arith.constant 1936 : index
    %swap3A_888 = tpu.vector_load %arg6[%swap3A_887] {strides = array<i32>} : memref<2048xi32, #tpu.memory_space<vmem>>, vector<16xi32>,
    tpu.vector_store %arg6[%swap3A_887], %add3A_886 {strides = array<i32>} : memref<2048xi32, #tpu.memory_space<vmem>>, vector<16xi32>,
    %get3A_889 = arith.constant 1952 : index
    %get3A_890 = tpu.vector_load %arg5[%get3A_889] {strides = array<i32>} : memref<2048xi32, #tpu.memory_space<vmem>>, vector<16xi32>,
    %add3A_891 = arith.constant 768 : i32
    %add3A_892 = vector.broadcast %add3A_891 : i32 to vector<16xi32>
    %add3A_893 = arith.addi %get3A_890, %add3A_892 : vector<16xi32>
    %swap3A_894 = arith.constant 1952 : index
    %swap3A_895 = tpu.vector_load %arg6[%swap3A_894] {strides = array<i32>} : memref<2048xi32, #tpu.memory_space<vmem>>, vector<16xi32>,
    tpu.vector_store %arg6[%swap3A_894], %add3A_893 {strides = array<i32>} : memref<2048xi32, #tpu.memory_space<vmem>>, vector<16xi32>,
    %get3A_896 = arith.constant 1968 : index
    %get3A_897 = tpu.vector_load %arg5[%get3A_896] {strides = array<i32>} : memref<2048xi32, #tpu.memory_space<vmem>>, vector<16xi32>,
    %add3A_898 = arith.constant 768 : i32
    %add3A_899 = vector.broadcast %add3A_898 : i32 to vector<16xi32>
    %add3A_900 = arith.addi %get3A_897, %add3A_899 : vector<16xi32>
    %swap3A_901 = arith.constant 1968 : index
    %swap3A_902 = tpu.vector_load %arg6[%swap3A_901] {strides = array<i32>} : memref<2048xi32, #tpu.memory_space<vmem>>, vector<16xi32>,
    tpu.vector_store %arg6[%swap3A_901], %add3A_900 {strides = array<i32>} : memref<2048xi32, #tpu.memory_space<vmem>>, vector<16xi32>,
    %get3A_903 = arith.constant 1984 : index
    %get3A_904 = tpu.vector_load %arg5[%get3A_903] {strides = array<i32>} : memref<2048xi32, #tpu.memory_space<vmem>>, vector<16xi32>,
    %add3A_905 = arith.constant 768 : i32
    %add3A_906 = vector.broadcast %add3A_905 : i32 to vector<16xi32>
    %add3A_907 = arith.addi %get3A_904, %add3A_906 : vector<16xi32>
    %swap3A_908 = arith.constant 1984 : index
    %swap3A_909 = tpu.vector_load %arg6[%swap3A_908] {strides = array<i32>} : memref<2048xi32, #tpu.memory_space<vmem>>, vector<16xi32>,
    tpu.vector_store %arg6[%swap3A_908], %add3A_907 {strides = array<i32>} : memref<2048xi32, #tpu.memory_space<vmem>>, vector<16xi32>,
    %get3A_910 = arith.constant 2000 : index
    %get3A_911 = tpu.vector_load %arg5[%get3A_910] {strides = array<i32>} : memref<2048xi32, #tpu.memory_space<vmem>>, vector<16xi32>,
    %add3A_912 = arith.constant 768 : i32
    %add3A_913 = vector.broadcast %add3A_912 : i32 to vector<16xi32>
    %add3A_914 = arith.addi %get3A_911, %add3A_913 : vector<16xi32>
    %swap3A_915 = arith.constant 2000 : index
    %swap3A_916 = tpu.vector_load %arg6[%swap3A_915] {strides = array<i32>} : memref<2048xi32, #tpu.memory_space<vmem>>, vector<16xi32>,
    tpu.vector_store %arg6[%swap3A_915], %add3A_914 {strides = array<i32>} : memref<2048xi32, #tpu.memory_space<vmem>>, vector<16xi32>,
    %get3A_917 = arith.constant 2016 : index
    %get3A_918 = tpu.vector_load %arg5[%get3A_917] {strides = array<i32>} : memref<2048xi32, #tpu.memory_space<vmem>>, vector<16xi32>,
    %add3A_919 = arith.constant 768 : i32
    %add3A_920 = vector.broadcast %add3A_919 : i32 to vector<16xi32>
    %add3A_921 = arith.addi %get3A_918, %add3A_920 : vector<16xi32>
    %swap3A_922 = arith.constant 2016 : index
    %swap3A_923 = tpu.vector_load %arg6[%swap3A_922] {strides = array<i32>} : memref<2048xi32, #tpu.memory_space<vmem>>, vector<16xi32>,
    tpu.vector_store %arg6[%swap3A_922], %add3A_921 {strides = array<i32>} : memref<2048xi32, #tpu.memory_space<vmem>>, vector<16xi32>,
    %get3A_924 = arith.constant 2032 : index
    %get3A_925 = tpu.vector_load %arg5[%get3A_924] {strides = array<i32>} : memref<2048xi32, #tpu.memory_space<vmem>>, vector<16xi32>,
    %add3A_926 = arith.constant 768 : i32
    %add3A_927 = vector.broadcast %add3A_926 : i32 to vector<16xi32>
    %add3A_928 = arith.addi %get3A_925, %add3A_927 : vector<16xi32>
    %swap3A_929 = arith.constant 2032 : index
    %swap3A_930 = tpu.vector_load %arg6[%swap3A_929] {strides = array<i32>} : memref<2048xi32, #tpu.memory_space<vmem>>, vector<16xi32>,
    tpu.vector_store %arg6[%swap3A_929], %add3A_928 {strides = array<i32>} : memref<2048xi32, #tpu.memory_space<vmem>>, vector<16xi32>,
    %dma_wait3A = arith.constant 0 : i32
    %dma_wait3A_931 = arith.constant 0 : i32
    %dma_wait3A_932 = tpu.memref_slice %arg7[%dma_wait3A, %dma_wait3A_931] : memref<512x32xf32, #tpu.memory_space<vmem>> -> memref<128x32xf32, #tpu.memory_space<vmem>>
    %dma_wait3A_933 = arith.constant 0 : i32
    %dma_wait3A_934 = tpu.memref_slice %arg6[%dma_wait3A_933] : memref<2048xi32, #tpu.memory_space<vmem>> -> memref<128xi32, #tpu.memory_space<vmem>>
    %dma_wait3A_935 = arith.constant 0 : i32
    %dma_wait3A_936 = arith.constant 0 : i32
    %dma_wait3A_937 = tpu.memref_slice %arg2[%dma_wait3A_935, %dma_wait3A_936] : memref<1024x32xf32, #tpu.memory_space<hbm>> -> memref<1024x32xf32, #tpu.memory_space<hbm>>
    tpu.wait_indirect_dma semaphore(%arg8 : memref<!tpu.dma_semaphore, #tpu.memory_space<semaphore_mem>>) src(%dma_wait3A_937 : memref<1024x32xf32, #tpu.memory_space<hbm>>) dst(%dma_wait3A_932 : memref<128x32xf32, #tpu.memory_space<vmem>>)
    %dma_start3A_938 = arith.constant 0 : i32
    %dma_start3A_939 = arith.constant 0 : i32
    %dma_start3A_940 = tpu.memref_slice %arg7[%dma_start3A_938, %dma_start3A_939] : memref<512x32xf32, #tpu.memory_space<vmem>> -> memref<128x32xf32, #tpu.memory_space<vmem>>
    %dma_start3A_941 = arith.constant 512 : i32
    %dma_start3A_942 = tpu.memref_slice %arg6[%dma_start3A_941] : memref<2048xi32, #tpu.memory_space<vmem>> -> memref<128xi32, #tpu.memory_space<vmem>>
    %dma_start3A_943 = arith.constant 0 : i32
    %dma_start3A_944 = arith.constant 0 : i32
    %dma_start3A_945 = tpu.memref_slice %arg2[%dma_start3A_943, %dma_start3A_944] : memref<1024x32xf32, #tpu.memory_space<hbm>> -> memref<1024x32xf32, #tpu.memory_space<hbm>>
    tpu.enqueue_indirect_dma source(%dma_start3A_945 : memref<1024x32xf32, #tpu.memory_space<hbm>>) target(%dma_start3A_940 : memref<128x32xf32, #tpu.memory_space<vmem>>) offsets(%dma_start3A_942 : memref<128xi32, #tpu.memory_space<vmem>>) semaphore(%arg9 : memref<!tpu.dma_semaphore, #tpu.memory_space<semaphore_mem>>) {add = true}
    %dma_start3A_946 = arith.constant 0 : i32
    %dma_start3A_947 = arith.constant 0 : i32
    %dma_start3A_948 = tpu.memref_slice %arg7[%dma_start3A_946, %dma_start3A_947] : memref<512x32xf32, #tpu.memory_space<vmem>> -> memref<128x32xf32, #tpu.memory_space<vmem>>
    %dma_start3A_949 = arith.constant 1024 : i32
    %dma_start3A_950 = tpu.memref_slice %arg6[%dma_start3A_949] : memref<2048xi32, #tpu.memory_space<vmem>> -> memref<128xi32, #tpu.memory_space<vmem>>
    %dma_start3A_951 = arith.constant 0 : i32
    %dma_start3A_952 = arith.constant 0 : i32
    %dma_start3A_953 = tpu.memref_slice %arg2[%dma_start3A_951, %dma_start3A_952] : memref<1024x32xf32, #tpu.memory_space<hbm>> -> memref<1024x32xf32, #tpu.memory_space<hbm>>
    tpu.enqueue_indirect_dma source(%dma_start3A_953 : memref<1024x32xf32, #tpu.memory_space<hbm>>) target(%dma_start3A_948 : memref<128x32xf32, #tpu.memory_space<vmem>>) offsets(%dma_start3A_950 : memref<128xi32, #tpu.memory_space<vmem>>) semaphore(%arg9 : memref<!tpu.dma_semaphore, #tpu.memory_space<semaphore_mem>>) {add = true}
    %dma_start3A_954 = arith.constant 0 : i32
    %dma_start3A_955 = arith.constant 0 : i32
    %dma_start3A_956 = tpu.memref_slice %arg7[%dma_start3A_954, %dma_start3A_955] : memref<512x32xf32, #tpu.memory_space<vmem>> -> memref<128x32xf32, #tpu.memory_space<vmem>>
    %dma_start3A_957 = arith.constant 1536 : i32
    %dma_start3A_958 = tpu.memref_slice %arg6[%dma_start3A_957] : memref<2048xi32, #tpu.memory_space<vmem>> -> memref<128xi32, #tpu.memory_space<vmem>>
    %dma_start3A_959 = arith.constant 0 : i32
    %dma_start3A_960 = arith.constant 0 : i32
    %dma_start3A_961 = tpu.memref_slice %arg2[%dma_start3A_959, %dma_start3A_960] : memref<1024x32xf32, #tpu.memory_space<hbm>> -> memref<1024x32xf32, #tpu.memory_space<hbm>>
    tpu.enqueue_indirect_dma source(%dma_start3A_961 : memref<1024x32xf32, #tpu.memory_space<hbm>>) target(%dma_start3A_956 : memref<128x32xf32, #tpu.memory_space<vmem>>) offsets(%dma_start3A_958 : memref<128xi32, #tpu.memory_space<vmem>>) semaphore(%arg9 : memref<!tpu.dma_semaphore, #tpu.memory_space<semaphore_mem>>) {add = true}
    %dma_wait3A_962 = arith.constant 128 : i32
    %dma_wait3A_963 = arith.constant 0 : i32
    %dma_wait3A_964 = tpu.memref_slice %arg7[%dma_wait3A_962, %dma_wait3A_963] : memref<512x32xf32, #tpu.memory_space<vmem>> -> memref<128x32xf32, #tpu.memory_space<vmem>>
    %dma_wait3A_965 = arith.constant 128 : i32
    %dma_wait3A_966 = tpu.memref_slice %arg6[%dma_wait3A_965] : memref<2048xi32, #tpu.memory_space<vmem>> -> memref<128xi32, #tpu.memory_space<vmem>>
    %dma_wait3A_967 = arith.constant 0 : i32
    %dma_wait3A_968 = arith.constant 0 : i32
    %dma_wait3A_969 = tpu.memref_slice %arg2[%dma_wait3A_967, %dma_wait3A_968] : memref<1024x32xf32, #tpu.memory_space<hbm>> -> memref<1024x32xf32, #tpu.memory_space<hbm>>
    tpu.wait_indirect_dma semaphore(%arg8 : memref<!tpu.dma_semaphore, #tpu.memory_space<semaphore_mem>>) src(%dma_wait3A_969 : memref<1024x32xf32, #tpu.memory_space<hbm>>) dst(%dma_wait3A_964 : memref<128x32xf32, #tpu.memory_space<vmem>>)
    %dma_start3A_970 = arith.constant 128 : i32
    %dma_start3A_971 = arith.constant 0 : i32
    %dma_start3A_972 = tpu.memref_slice %arg7[%dma_start3A_970, %dma_start3A_971] : memref<512x32xf32, #tpu.memory_space<vmem>> -> memref<128x32xf32, #tpu.memory_space<vmem>>
    %dma_start3A_973 = arith.constant 640 : i32
    %dma_start3A_974 = tpu.memref_slice %arg6[%dma_start3A_973] : memref<2048xi32, #tpu.memory_space<vmem>> -> memref<128xi32, #tpu.memory_space<vmem>>
    %dma_start3A_975 = arith.constant 0 : i32
    %dma_start3A_976 = arith.constant 0 : i32
    %dma_start3A_977 = tpu.memref_slice %arg2[%dma_start3A_975, %dma_start3A_976] : memref<1024x32xf32, #tpu.memory_space<hbm>> -> memref<1024x32xf32, #tpu.memory_space<hbm>>
    tpu.enqueue_indirect_dma source(%dma_start3A_977 : memref<1024x32xf32, #tpu.memory_space<hbm>>) target(%dma_start3A_972 : memref<128x32xf32, #tpu.memory_space<vmem>>) offsets(%dma_start3A_974 : memref<128xi32, #tpu.memory_space<vmem>>) semaphore(%arg9 : memref<!tpu.dma_semaphore, #tpu.memory_space<semaphore_mem>>) {add = true}
    %dma_start3A_978 = arith.constant 128 : i32
    %dma_start3A_979 = arith.constant 0 : i32
    %dma_start3A_980 = tpu.memref_slice %arg7[%dma_start3A_978, %dma_start3A_979] : memref<512x32xf32, #tpu.memory_space<vmem>> -> memref<128x32xf32, #tpu.memory_space<vmem>>
    %dma_start3A_981 = arith.constant 1152 : i32
    %dma_start3A_982 = tpu.memref_slice %arg6[%dma_start3A_981] : memref<2048xi32, #tpu.memory_space<vmem>> -> memref<128xi32, #tpu.memory_space<vmem>>
    %dma_start3A_983 = arith.constant 0 : i32
    %dma_start3A_984 = arith.constant 0 : i32
    %dma_start3A_985 = tpu.memref_slice %arg2[%dma_start3A_983, %dma_start3A_984] : memref<1024x32xf32, #tpu.memory_space<hbm>> -> memref<1024x32xf32, #tpu.memory_space<hbm>>
    tpu.enqueue_indirect_dma source(%dma_start3A_985 : memref<1024x32xf32, #tpu.memory_space<hbm>>) target(%dma_start3A_980 : memref<128x32xf32, #tpu.memory_space<vmem>>) offsets(%dma_start3A_982 : memref<128xi32, #tpu.memory_space<vmem>>) semaphore(%arg9 : memref<!tpu.dma_semaphore, #tpu.memory_space<semaphore_mem>>) {add = true}
    %dma_start3A_986 = arith.constant 128 : i32
    %dma_start3A_987 = arith.constant 0 : i32
    %dma_start3A_988 = tpu.memref_slice %arg7[%dma_start3A_986, %dma_start3A_987] : memref<512x32xf32, #tpu.memory_space<vmem>> -> memref<128x32xf32, #tpu.memory_space<vmem>>
    %dma_start3A_989 = arith.constant 1664 : i32
    %dma_start3A_990 = tpu.memref_slice %arg6[%dma_start3A_989] : memref<2048xi32, #tpu.memory_space<vmem>> -> memref<128xi32, #tpu.memory_space<vmem>>
    %dma_start3A_991 = arith.constant 0 : i32
    %dma_start3A_992 = arith.constant 0 : i32
    %dma_start3A_993 = tpu.memref_slice %arg2[%dma_start3A_991, %dma_start3A_992] : memref<1024x32xf32, #tpu.memory_space<hbm>> -> memref<1024x32xf32, #tpu.memory_space<hbm>>
    tpu.enqueue_indirect_dma source(%dma_start3A_993 : memref<1024x32xf32, #tpu.memory_space<hbm>>) target(%dma_start3A_988 : memref<128x32xf32, #tpu.memory_space<vmem>>) offsets(%dma_start3A_990 : memref<128xi32, #tpu.memory_space<vmem>>) semaphore(%arg9 : memref<!tpu.dma_semaphore, #tpu.memory_space<semaphore_mem>>) {add = true}
    %dma_wait3A_994 = arith.constant 256 : i32
    %dma_wait3A_995 = arith.constant 0 : i32
    %dma_wait3A_996 = tpu.memref_slice %arg7[%dma_wait3A_994, %dma_wait3A_995] : memref<512x32xf32, #tpu.memory_space<vmem>> -> memref<128x32xf32, #tpu.memory_space<vmem>>
    %dma_wait3A_997 = arith.constant 256 : i32
    %dma_wait3A_998 = tpu.memref_slice %arg6[%dma_wait3A_997] : memref<2048xi32, #tpu.memory_space<vmem>> -> memref<128xi32, #tpu.memory_space<vmem>>
    %dma_wait3A_999 = arith.constant 0 : i32
    %dma_wait3A_1000 = arith.constant 0 : i32
    %dma_wait3A_1001 = tpu.memref_slice %arg2[%dma_wait3A_999, %dma_wait3A_1000] : memref<1024x32xf32, #tpu.memory_space<hbm>> -> memref<1024x32xf32, #tpu.memory_space<hbm>>
    tpu.wait_indirect_dma semaphore(%arg8 : memref<!tpu.dma_semaphore, #tpu.memory_space<semaphore_mem>>) src(%dma_wait3A_1001 : memref<1024x32xf32, #tpu.memory_space<hbm>>) dst(%dma_wait3A_996 : memref<128x32xf32, #tpu.memory_space<vmem>>)
    %dma_start3A_1002 = arith.constant 256 : i32
    %dma_start3A_1003 = arith.constant 0 : i32
    %dma_start3A_1004 = tpu.memref_slice %arg7[%dma_start3A_1002, %dma_start3A_1003] : memref<512x32xf32, #tpu.memory_space<vmem>> -> memref<128x32xf32, #tpu.memory_space<vmem>>
    %dma_start3A_1005 = arith.constant 768 : i32
    %dma_start3A_1006 = tpu.memref_slice %arg6[%dma_start3A_1005] : memref<2048xi32, #tpu.memory_space<vmem>> -> memref<128xi32, #tpu.memory_space<vmem>>
    %dma_start3A_1007 = arith.constant 0 : i32
    %dma_start3A_1008 = arith.constant 0 : i32
    %dma_start3A_1009 = tpu.memref_slice %arg2[%dma_start3A_1007, %dma_start3A_1008] : memref<1024x32xf32, #tpu.memory_space<hbm>> -> memref<1024x32xf32, #tpu.memory_space<hbm>>
    tpu.enqueue_indirect_dma source(%dma_start3A_1009 : memref<1024x32xf32, #tpu.memory_space<hbm>>) target(%dma_start3A_1004 : memref<128x32xf32, #tpu.memory_space<vmem>>) offsets(%dma_start3A_1006 : memref<128xi32, #tpu.memory_space<vmem>>) semaphore(%arg9 : memref<!tpu.dma_semaphore, #tpu.memory_space<semaphore_mem>>) {add = true}
    %dma_start3A_1010 = arith.constant 256 : i32
    %dma_start3A_1011 = arith.constant 0 : i32
    %dma_start3A_1012 = tpu.memref_slice %arg7[%dma_start3A_1010, %dma_start3A_1011] : memref<512x32xf32, #tpu.memory_space<vmem>> -> memref<128x32xf32, #tpu.memory_space<vmem>>
    %dma_start3A_1013 = arith.constant 1280 : i32
    %dma_start3A_1014 = tpu.memref_slice %arg6[%dma_start3A_1013] : memref<2048xi32, #tpu.memory_space<vmem>> -> memref<128xi32, #tpu.memory_space<vmem>>
    %dma_start3A_1015 = arith.constant 0 : i32
    %dma_start3A_1016 = arith.constant 0 : i32
    %dma_start3A_1017 = tpu.memref_slice %arg2[%dma_start3A_1015, %dma_start3A_1016] : memref<1024x32xf32, #tpu.memory_space<hbm>> -> memref<1024x32xf32, #tpu.memory_space<hbm>>
    tpu.enqueue_indirect_dma source(%dma_start3A_1017 : memref<1024x32xf32, #tpu.memory_space<hbm>>) target(%dma_start3A_1012 : memref<128x32xf32, #tpu.memory_space<vmem>>) offsets(%dma_start3A_1014 : memref<128xi32, #tpu.memory_space<vmem>>) semaphore(%arg9 : memref<!tpu.dma_semaphore, #tpu.memory_space<semaphore_mem>>) {add = true}
    %dma_start3A_1018 = arith.constant 256 : i32
    %dma_start3A_1019 = arith.constant 0 : i32
    %dma_start3A_1020 = tpu.memref_slice %arg7[%dma_start3A_1018, %dma_start3A_1019] : memref<512x32xf32, #tpu.memory_space<vmem>> -> memref<128x32xf32, #tpu.memory_space<vmem>>
    %dma_start3A_1021 = arith.constant 1792 : i32
    %dma_start3A_1022 = tpu.memref_slice %arg6[%dma_start3A_1021] : memref<2048xi32, #tpu.memory_space<vmem>> -> memref<128xi32, #tpu.memory_space<vmem>>
    %dma_start3A_1023 = arith.constant 0 : i32
    %dma_start3A_1024 = arith.constant 0 : i32
    %dma_start3A_1025 = tpu.memref_slice %arg2[%dma_start3A_1023, %dma_start3A_1024] : memref<1024x32xf32, #tpu.memory_space<hbm>> -> memref<1024x32xf32, #tpu.memory_space<hbm>>
    tpu.enqueue_indirect_dma source(%dma_start3A_1025 : memref<1024x32xf32, #tpu.memory_space<hbm>>) target(%dma_start3A_1020 : memref<128x32xf32, #tpu.memory_space<vmem>>) offsets(%dma_start3A_1022 : memref<128xi32, #tpu.memory_space<vmem>>) semaphore(%arg9 : memref<!tpu.dma_semaphore, #tpu.memory_space<semaphore_mem>>) {add = true}
    %dma_wait3A_1026 = arith.constant 384 : i32
    %dma_wait3A_1027 = arith.constant 0 : i32
    %dma_wait3A_1028 = tpu.memref_slice %arg7[%dma_wait3A_1026, %dma_wait3A_1027] : memref<512x32xf32, #tpu.memory_space<vmem>> -> memref<128x32xf32, #tpu.memory_space<vmem>>
    %dma_wait3A_1029 = arith.constant 384 : i32
    %dma_wait3A_1030 = tpu.memref_slice %arg6[%dma_wait3A_1029] : memref<2048xi32, #tpu.memory_space<vmem>> -> memref<128xi32, #tpu.memory_space<vmem>>
    %dma_wait3A_1031 = arith.constant 0 : i32
    %dma_wait3A_1032 = arith.constant 0 : i32
    %dma_wait3A_1033 = tpu.memref_slice %arg2[%dma_wait3A_1031, %dma_wait3A_1032] : memref<1024x32xf32, #tpu.memory_space<hbm>> -> memref<1024x32xf32, #tpu.memory_space<hbm>>
    tpu.wait_indirect_dma semaphore(%arg8 : memref<!tpu.dma_semaphore, #tpu.memory_space<semaphore_mem>>) src(%dma_wait3A_1033 : memref<1024x32xf32, #tpu.memory_space<hbm>>) dst(%dma_wait3A_1028 : memref<128x32xf32, #tpu.memory_space<vmem>>)
    %dma_start3A_1034 = arith.constant 384 : i32
    %dma_start3A_1035 = arith.constant 0 : i32
    %dma_start3A_1036 = tpu.memref_slice %arg7[%dma_start3A_1034, %dma_start3A_1035] : memref<512x32xf32, #tpu.memory_space<vmem>> -> memref<128x32xf32, #tpu.memory_space<vmem>>
    %dma_start3A_1037 = arith.constant 896 : i32
    %dma_start3A_1038 = tpu.memref_slice %arg6[%dma_start3A_1037] : memref<2048xi32, #tpu.memory_space<vmem>> -> memref<128xi32, #tpu.memory_space<vmem>>
    %dma_start3A_1039 = arith.constant 0 : i32
    %dma_start3A_1040 = arith.constant 0 : i32
    %dma_start3A_1041 = tpu.memref_slice %arg2[%dma_start3A_1039, %dma_start3A_1040] : memref<1024x32xf32, #tpu.memory_space<hbm>> -> memref<1024x32xf32, #tpu.memory_space<hbm>>
    tpu.enqueue_indirect_dma source(%dma_start3A_1041 : memref<1024x32xf32, #tpu.memory_space<hbm>>) target(%dma_start3A_1036 : memref<128x32xf32, #tpu.memory_space<vmem>>) offsets(%dma_start3A_1038 : memref<128xi32, #tpu.memory_space<vmem>>) semaphore(%arg9 : memref<!tpu.dma_semaphore, #tpu.memory_space<semaphore_mem>>) {add = true}
    %dma_start3A_1042 = arith.constant 384 : i32
    %dma_start3A_1043 = arith.constant 0 : i32
    %dma_start3A_1044 = tpu.memref_slice %arg7[%dma_start3A_1042, %dma_start3A_1043] : memref<512x32xf32, #tpu.memory_space<vmem>> -> memref<128x32xf32, #tpu.memory_space<vmem>>
    %dma_start3A_1045 = arith.constant 1408 : i32
    %dma_start3A_1046 = tpu.memref_slice %arg6[%dma_start3A_1045] : memref<2048xi32, #tpu.memory_space<vmem>> -> memref<128xi32, #tpu.memory_space<vmem>>
    %dma_start3A_1047 = arith.constant 0 : i32
    %dma_start3A_1048 = arith.constant 0 : i32
    %dma_start3A_1049 = tpu.memref_slice %arg2[%dma_start3A_1047, %dma_start3A_1048] : memref<1024x32xf32, #tpu.memory_space<hbm>> -> memref<1024x32xf32, #tpu.memory_space<hbm>>
    tpu.enqueue_indirect_dma source(%dma_start3A_1049 : memref<1024x32xf32, #tpu.memory_space<hbm>>) target(%dma_start3A_1044 : memref<128x32xf32, #tpu.memory_space<vmem>>) offsets(%dma_start3A_1046 : memref<128xi32, #tpu.memory_space<vmem>>) semaphore(%arg9 : memref<!tpu.dma_semaphore, #tpu.memory_space<semaphore_mem>>) {add = true}
    %dma_start3A_1050 = arith.constant 384 : i32
    %dma_start3A_1051 = arith.constant 0 : i32
    %dma_start3A_1052 = tpu.memref_slice %arg7[%dma_start3A_1050, %dma_start3A_1051] : memref<512x32xf32, #tpu.memory_space<vmem>> -> memref<128x32xf32, #tpu.memory_space<vmem>>
    %dma_start3A_1053 = arith.constant 1920 : i32
    %dma_start3A_1054 = tpu.memref_slice %arg6[%dma_start3A_1053] : memref<2048xi32, #tpu.memory_space<vmem>> -> memref<128xi32, #tpu.memory_space<vmem>>
    %dma_start3A_1055 = arith.constant 0 : i32
    %dma_start3A_1056 = arith.constant 0 : i32
    %dma_start3A_1057 = tpu.memref_slice %arg2[%dma_start3A_1055, %dma_start3A_1056] : memref<1024x32xf32, #tpu.memory_space<hbm>> -> memref<1024x32xf32, #tpu.memory_space<hbm>>
    tpu.enqueue_indirect_dma source(%dma_start3A_1057 : memref<1024x32xf32, #tpu.memory_space<hbm>>) target(%dma_start3A_1052 : memref<128x32xf32, #tpu.memory_space<vmem>>) offsets(%dma_start3A_1054 : memref<128xi32, #tpu.memory_space<vmem>>) semaphore(%arg9 : memref<!tpu.dma_semaphore, #tpu.memory_space<semaphore_mem>>) {add = true}
    %dma_wait3A_1058 = arith.constant 0 : i32
    %dma_wait3A_1059 = arith.constant 0 : i32
    %dma_wait3A_1060 = tpu.memref_slice %arg7[%dma_wait3A_1058, %dma_wait3A_1059] : memref<512x32xf32, #tpu.memory_space<vmem>> -> memref<128x32xf32, #tpu.memory_space<vmem>>
    %dma_wait3A_1061 = arith.constant 512 : i32
    %dma_wait3A_1062 = tpu.memref_slice %arg6[%dma_wait3A_1061] : memref<2048xi32, #tpu.memory_space<vmem>> -> memref<128xi32, #tpu.memory_space<vmem>>
    %dma_wait3A_1063 = arith.constant 0 : i32
    %dma_wait3A_1064 = arith.constant 0 : i32
    %dma_wait3A_1065 = tpu.memref_slice %arg2[%dma_wait3A_1063, %dma_wait3A_1064] : memref<1024x32xf32, #tpu.memory_space<hbm>> -> memref<1024x32xf32, #tpu.memory_space<hbm>>
    tpu.wait_indirect_dma semaphore(%arg9 : memref<!tpu.dma_semaphore, #tpu.memory_space<semaphore_mem>>) src(%dma_wait3A_1065 : memref<1024x32xf32, #tpu.memory_space<hbm>>) dst(%dma_wait3A_1060 : memref<128x32xf32, #tpu.memory_space<vmem>>)
    %dma_wait3A_1066 = arith.constant 0 : i32
    %dma_wait3A_1067 = arith.constant 0 : i32
    %dma_wait3A_1068 = tpu.memref_slice %arg7[%dma_wait3A_1066, %dma_wait3A_1067] : memref<512x32xf32, #tpu.memory_space<vmem>> -> memref<128x32xf32, #tpu.memory_space<vmem>>
    %dma_wait3A_1069 = arith.constant 1024 : i32
    %dma_wait3A_1070 = tpu.memref_slice %arg6[%dma_wait3A_1069] : memref<2048xi32, #tpu.memory_space<vmem>> -> memref<128xi32, #tpu.memory_space<vmem>>
    %dma_wait3A_1071 = arith.constant 0 : i32
    %dma_wait3A_1072 = arith.constant 0 : i32
    %dma_wait3A_1073 = tpu.memref_slice %arg2[%dma_wait3A_1071, %dma_wait3A_1072] : memref<1024x32xf32, #tpu.memory_space<hbm>> -> memref<1024x32xf32, #tpu.memory_space<hbm>>
    tpu.wait_indirect_dma semaphore(%arg9 : memref<!tpu.dma_semaphore, #tpu.memory_space<semaphore_mem>>) src(%dma_wait3A_1073 : memref<1024x32xf32, #tpu.memory_space<hbm>>) dst(%dma_wait3A_1068 : memref<128x32xf32, #tpu.memory_space<vmem>>)
    %dma_wait3A_1074 = arith.constant 0 : i32
    %dma_wait3A_1075 = arith.constant 0 : i32
    %dma_wait3A_1076 = tpu.memref_slice %arg7[%dma_wait3A_1074, %dma_wait3A_1075] : memref<512x32xf32, #tpu.memory_space<vmem>> -> memref<128x32xf32, #tpu.memory_space<vmem>>
    %dma_wait3A_1077 = arith.constant 1536 : i32
    %dma_wait3A_1078 = tpu.memref_slice %arg6[%dma_wait3A_1077] : memref<2048xi32, #tpu.memory_space<vmem>> -> memref<128xi32, #tpu.memory_space<vmem>>
    %dma_wait3A_1079 = arith.constant 0 : i32
    %dma_wait3A_1080 = arith.constant 0 : i32
    %dma_wait3A_1081 = tpu.memref_slice %arg2[%dma_wait3A_1079, %dma_wait3A_1080] : memref<1024x32xf32, #tpu.memory_space<hbm>> -> memref<1024x32xf32, #tpu.memory_space<hbm>>
    tpu.wait_indirect_dma semaphore(%arg9 : memref<!tpu.dma_semaphore, #tpu.memory_space<semaphore_mem>>) src(%dma_wait3A_1081 : memref<1024x32xf32, #tpu.memory_space<hbm>>) dst(%dma_wait3A_1076 : memref<128x32xf32, #tpu.memory_space<vmem>>)
    %dma_wait3A_1082 = arith.constant 128 : i32
    %dma_wait3A_1083 = arith.constant 0 : i32
    %dma_wait3A_1084 = tpu.memref_slice %arg7[%dma_wait3A_1082, %dma_wait3A_1083] : memref<512x32xf32, #tpu.memory_space<vmem>> -> memref<128x32xf32, #tpu.memory_space<vmem>>
    %dma_wait3A_1085 = arith.constant 640 : i32
    %dma_wait3A_1086 = tpu.memref_slice %arg6[%dma_wait3A_1085] : memref<2048xi32, #tpu.memory_space<vmem>> -> memref<128xi32, #tpu.memory_space<vmem>>
    %dma_wait3A_1087 = arith.constant 0 : i32
    %dma_wait3A_1088 = arith.constant 0 : i32
    %dma_wait3A_1089 = tpu.memref_slice %arg2[%dma_wait3A_1087, %dma_wait3A_1088] : memref<1024x32xf32, #tpu.memory_space<hbm>> -> memref<1024x32xf32, #tpu.memory_space<hbm>>
    tpu.wait_indirect_dma semaphore(%arg9 : memref<!tpu.dma_semaphore, #tpu.memory_space<semaphore_mem>>) src(%dma_wait3A_1089 : memref<1024x32xf32, #tpu.memory_space<hbm>>) dst(%dma_wait3A_1084 : memref<128x32xf32, #tpu.memory_space<vmem>>)
    %dma_wait3A_1090 = arith.constant 128 : i32
    %dma_wait3A_1091 = arith.constant 0 : i32
    %dma_wait3A_1092 = tpu.memref_slice %arg7[%dma_wait3A_1090, %dma_wait3A_1091] : memref<512x32xf32, #tpu.memory_space<vmem>> -> memref<128x32xf32, #tpu.memory_space<vmem>>
    %dma_wait3A_1093 = arith.constant 1152 : i32
    %dma_wait3A_1094 = tpu.memref_slice %arg6[%dma_wait3A_1093] : memref<2048xi32, #tpu.memory_space<vmem>> -> memref<128xi32, #tpu.memory_space<vmem>>
    %dma_wait3A_1095 = arith.constant 0 : i32
    %dma_wait3A_1096 = arith.constant 0 : i32
    %dma_wait3A_1097 = tpu.memref_slice %arg2[%dma_wait3A_1095, %dma_wait3A_1096] : memref<1024x32xf32, #tpu.memory_space<hbm>> -> memref<1024x32xf32, #tpu.memory_space<hbm>>
    tpu.wait_indirect_dma semaphore(%arg9 : memref<!tpu.dma_semaphore, #tpu.memory_space<semaphore_mem>>) src(%dma_wait3A_1097 : memref<1024x32xf32, #tpu.memory_space<hbm>>) dst(%dma_wait3A_1092 : memref<128x32xf32, #tpu.memory_space<vmem>>)
    %dma_wait3A_1098 = arith.constant 128 : i32
    %dma_wait3A_1099 = arith.constant 0 : i32
    %dma_wait3A_1100 = tpu.memref_slice %arg7[%dma_wait3A_1098, %dma_wait3A_1099] : memref<512x32xf32, #tpu.memory_space<vmem>> -> memref<128x32xf32, #tpu.memory_space<vmem>>
    %dma_wait3A_1101 = arith.constant 1664 : i32
    %dma_wait3A_1102 = tpu.memref_slice %arg6[%dma_wait3A_1101] : memref<2048xi32, #tpu.memory_space<vmem>> -> memref<128xi32, #tpu.memory_space<vmem>>
    %dma_wait3A_1103 = arith.constant 0 : i32
    %dma_wait3A_1104 = arith.constant 0 : i32
    %dma_wait3A_1105 = tpu.memref_slice %arg2[%dma_wait3A_1103, %dma_wait3A_1104] : memref<1024x32xf32, #tpu.memory_space<hbm>> -> memref<1024x32xf32, #tpu.memory_space<hbm>>
    tpu.wait_indirect_dma semaphore(%arg9 : memref<!tpu.dma_semaphore, #tpu.memory_space<semaphore_mem>>) src(%dma_wait3A_1105 : memref<1024x32xf32, #tpu.memory_space<hbm>>) dst(%dma_wait3A_1100 : memref<128x32xf32, #tpu.memory_space<vmem>>)
    %dma_wait3A_1106 = arith.constant 256 : i32
    %dma_wait3A_1107 = arith.constant 0 : i32
    %dma_wait3A_1108 = tpu.memref_slice %arg7[%dma_wait3A_1106, %dma_wait3A_1107] : memref<512x32xf32, #tpu.memory_space<vmem>> -> memref<128x32xf32, #tpu.memory_space<vmem>>
    %dma_wait3A_1109 = arith.constant 768 : i32
    %dma_wait3A_1110 = tpu.memref_slice %arg6[%dma_wait3A_1109] : memref<2048xi32, #tpu.memory_space<vmem>> -> memref<128xi32, #tpu.memory_space<vmem>>
    %dma_wait3A_1111 = arith.constant 0 : i32
    %dma_wait3A_1112 = arith.constant 0 : i32
    %dma_wait3A_1113 = tpu.memref_slice %arg2[%dma_wait3A_1111, %dma_wait3A_1112] : memref<1024x32xf32, #tpu.memory_space<hbm>> -> memref<1024x32xf32, #tpu.memory_space<hbm>>
    tpu.wait_indirect_dma semaphore(%arg9 : memref<!tpu.dma_semaphore, #tpu.memory_space<semaphore_mem>>) src(%dma_wait3A_1113 : memref<1024x32xf32, #tpu.memory_space<hbm>>) dst(%dma_wait3A_1108 : memref<128x32xf32, #tpu.memory_space<vmem>>)
    %dma_wait3A_1114 = arith.constant 256 : i32
    %dma_wait3A_1115 = arith.constant 0 : i32
    %dma_wait3A_1116 = tpu.memref_slice %arg7[%dma_wait3A_1114, %dma_wait3A_1115] : memref<512x32xf32, #tpu.memory_space<vmem>> -> memref<128x32xf32, #tpu.memory_space<vmem>>
    %dma_wait3A_1117 = arith.constant 1280 : i32
    %dma_wait3A_1118 = tpu.memref_slice %arg6[%dma_wait3A_1117] : memref<2048xi32, #tpu.memory_space<vmem>> -> memref<128xi32, #tpu.memory_space<vmem>>
    %dma_wait3A_1119 = arith.constant 0 : i32
    %dma_wait3A_1120 = arith.constant 0 : i32
    %dma_wait3A_1121 = tpu.memref_slice %arg2[%dma_wait3A_1119, %dma_wait3A_1120] : memref<1024x32xf32, #tpu.memory_space<hbm>> -> memref<1024x32xf32, #tpu.memory_space<hbm>>
    tpu.wait_indirect_dma semaphore(%arg9 : memref<!tpu.dma_semaphore, #tpu.memory_space<semaphore_mem>>) src(%dma_wait3A_1121 : memref<1024x32xf32, #tpu.memory_space<hbm>>) dst(%dma_wait3A_1116 : memref<128x32xf32, #tpu.memory_space<vmem>>)
    %dma_wait3A_1122 = arith.constant 256 : i32
    %dma_wait3A_1123 = arith.constant 0 : i32
    %dma_wait3A_1124 = tpu.memref_slice %arg7[%dma_wait3A_1122, %dma_wait3A_1123] : memref<512x32xf32, #tpu.memory_space<vmem>> -> memref<128x32xf32, #tpu.memory_space<vmem>>
    %dma_wait3A_1125 = arith.constant 1792 : i32
    %dma_wait3A_1126 = tpu.memref_slice %arg6[%dma_wait3A_1125] : memref<2048xi32, #tpu.memory_space<vmem>> -> memref<128xi32, #tpu.memory_space<vmem>>
    %dma_wait3A_1127 = arith.constant 0 : i32
    %dma_wait3A_1128 = arith.constant 0 : i32
    %dma_wait3A_1129 = tpu.memref_slice %arg2[%dma_wait3A_1127, %dma_wait3A_1128] : memref<1024x32xf32, #tpu.memory_space<hbm>> -> memref<1024x32xf32, #tpu.memory_space<hbm>>
    tpu.wait_indirect_dma semaphore(%arg9 : memref<!tpu.dma_semaphore, #tpu.memory_space<semaphore_mem>>) src(%dma_wait3A_1129 : memref<1024x32xf32, #tpu.memory_space<hbm>>) dst(%dma_wait3A_1124 : memref<128x32xf32, #tpu.memory_space<vmem>>)
    %dma_wait3A_1130 = arith.constant 384 : i32
    %dma_wait3A_1131 = arith.constant 0 : i32
    %dma_wait3A_1132 = tpu.memref_slice %arg7[%dma_wait3A_1130, %dma_wait3A_1131] : memref<512x32xf32, #tpu.memory_space<vmem>> -> memref<128x32xf32, #tpu.memory_space<vmem>>
    %dma_wait3A_1133 = arith.constant 896 : i32
    %dma_wait3A_1134 = tpu.memref_slice %arg6[%dma_wait3A_1133] : memref<2048xi32, #tpu.memory_space<vmem>> -> memref<128xi32, #tpu.memory_space<vmem>>
    %dma_wait3A_1135 = arith.constant 0 : i32
    %dma_wait3A_1136 = arith.constant 0 : i32
    %dma_wait3A_1137 = tpu.memref_slice %arg2[%dma_wait3A_1135, %dma_wait3A_1136] : memref<1024x32xf32, #tpu.memory_space<hbm>> -> memref<1024x32xf32, #tpu.memory_space<hbm>>
    tpu.wait_indirect_dma semaphore(%arg9 : memref<!tpu.dma_semaphore, #tpu.memory_space<semaphore_mem>>) src(%dma_wait3A_1137 : memref<1024x32xf32, #tpu.memory_space<hbm>>) dst(%dma_wait3A_1132 : memref<128x32xf32, #tpu.memory_space<vmem>>)
    %dma_wait3A_1138 = arith.constant 384 : i32
    %dma_wait3A_1139 = arith.constant 0 : i32
    %dma_wait3A_1140 = tpu.memref_slice %arg7[%dma_wait3A_1138, %dma_wait3A_1139] : memref<512x32xf32, #tpu.memory_space<vmem>> -> memref<128x32xf32, #tpu.memory_space<vmem>>
    %dma_wait3A_1141 = arith.constant 1408 : i32
    %dma_wait3A_1142 = tpu.memref_slice %arg6[%dma_wait3A_1141] : memref<2048xi32, #tpu.memory_space<vmem>> -> memref<128xi32, #tpu.memory_space<vmem>>
    %dma_wait3A_1143 = arith.constant 0 : i32
    %dma_wait3A_1144 = arith.constant 0 : i32
    %dma_wait3A_1145 = tpu.memref_slice %arg2[%dma_wait3A_1143, %dma_wait3A_1144] : memref<1024x32xf32, #tpu.memory_space<hbm>> -> memref<1024x32xf32, #tpu.memory_space<hbm>>
    tpu.wait_indirect_dma semaphore(%arg9 : memref<!tpu.dma_semaphore, #tpu.memory_space<semaphore_mem>>) src(%dma_wait3A_1145 : memref<1024x32xf32, #tpu.memory_space<hbm>>) dst(%dma_wait3A_1140 : memref<128x32xf32, #tpu.memory_space<vmem>>)
    %dma_wait3A_1146 = arith.constant 384 : i32
    %dma_wait3A_1147 = arith.constant 0 : i32
    %dma_wait3A_1148 = tpu.memref_slice %arg7[%dma_wait3A_1146, %dma_wait3A_1147] : memref<512x32xf32, #tpu.memory_space<vmem>> -> memref<128x32xf32, #tpu.memory_space<vmem>>
    %dma_wait3A_1149 = arith.constant 1920 : i32
    %dma_wait3A_1150 = tpu.memref_slice %arg6[%dma_wait3A_1149] : memref<2048xi32, #tpu.memory_space<vmem>> -> memref<128xi32, #tpu.memory_space<vmem>>
    %dma_wait3A_1151 = arith.constant 0 : i32
    %dma_wait3A_1152 = arith.constant 0 : i32
    %dma_wait3A_1153 = tpu.memref_slice %arg2[%dma_wait3A_1151, %dma_wait3A_1152] : memref<1024x32xf32, #tpu.memory_space<hbm>> -> memref<1024x32xf32, #tpu.memory_space<hbm>>
    tpu.wait_indirect_dma semaphore(%arg9 : memref<!tpu.dma_semaphore, #tpu.memory_space<semaphore_mem>>) src(%dma_wait3A_1153 : memref<1024x32xf32, #tpu.memory_space<hbm>>) dst(%dma_wait3A_1148 : memref<128x32xf32, #tpu.memory_space<vmem>>)
    "tpu.region"() ({
      %run_scoped3A_1154 = tpu.sem_alloc : memref<!tpu.dma_semaphore, #tpu.memory_space<semaphore_mem>>
      %dma_start3A_1155 = arith.constant 0 : i32
      %dma_start3A_1156 = tpu.memref_slice %arg4[%mul3A_2, %dma_start3A_1155] : memref<16384x32xf32, #tpu.memory_space<hbm>> -> memref<512x32xf32, #tpu.memory_space<hbm>>
      %dma_start3A_1157 = arith.constant 0 : i32
      %dma_start3A_1158 = tpu.memref_slice %arg4[%mul3A_2, %dma_start3A_1157] : memref<16384x32xf32, #tpu.memory_space<hbm>> -> memref<512x32xf32, #tpu.memory_space<hbm>>
      tpu.enqueue_dma source(%arg7 : memref<512x32xf32, #tpu.memory_space<vmem>>) target(%dma_start3A_1158 : memref<512x32xf32, #tpu.memory_space<hbm>>) target_semaphore(%run_scoped3A_1154 : memref<!tpu.dma_semaphore, #tpu.memory_space<semaphore_mem>>)
      %dma_wait3A_1159 = arith.constant 0 : i32
      %dma_wait3A_1160 = tpu.memref_slice %arg4[%mul3A_2, %dma_wait3A_1159] : memref<16384x32xf32, #tpu.memory_space<hbm>> -> memref<512x32xf32, #tpu.memory_space<hbm>>
      %dma_wait3A_1161 = arith.constant 0 : i32
      %dma_wait3A_1162 = tpu.memref_slice %arg4[%mul3A_2, %dma_wait3A_1161] : memref<16384x32xf32, #tpu.memory_space<hbm>> -> memref<512x32xf32, #tpu.memory_space<hbm>>
      tpu.wait_dma2 semaphore(%run_scoped3A_1154 : memref<!tpu.dma_semaphore, #tpu.memory_space<semaphore_mem>>) src(%arg7 : memref<512x32xf32, #tpu.memory_space<vmem>>) dst(%dma_wait3A_1162 : memref<512x32xf32, #tpu.memory_space<hbm>>)
      tpu.yield
    }) : () -> ()
    return
  }
}

module attributes {stable_mosaic.version = 14 : i64} {
  func.func @_fold_tables_body(%arg0: memref<4x256x32xf32, #tpu.memory_space<vmem>>, %arg1: memref<3x32x32xf32, #tpu.memory_space<vmem>>, %arg2: memref<1x32xf32, #tpu.memory_space<vmem>>, %arg3: memref<1024x32xf32, #tpu.memory_space<vmem>>) attributes {dimension_semantics = [], scalar_prefetch = 0 : i64, scratch_operands = 0 : i64, tpu.core_type = #tpu.core_type<tc>} {
    %get3A = arith.constant 0 : index
    %get3A_0 = arith.constant 0 : index
    %get3A_1 = arith.constant 0 : index
    %get3A_2 = vector.load %arg1[%get3A, %get3A_0, %get3A_1] : memref<3x32x32xf32, #tpu.memory_space<vmem>>, vector<1x32x32xf32>
    %get3A_3 = vector.shape_cast %get3A_2 : vector<1x32x32xf32> to vector<32x32xf32>
    %get3A_4 = arith.constant 1 : index
    %get3A_5 = arith.constant 0 : index
    %get3A_6 = arith.constant 0 : index
    %get3A_7 = vector.load %arg1[%get3A_4, %get3A_5, %get3A_6] : memref<3x32x32xf32, #tpu.memory_space<vmem>>, vector<1x32x32xf32>
    %get3A_8 = vector.shape_cast %get3A_7 : vector<1x32x32xf32> to vector<32x32xf32>
    %get3A_9 = arith.constant 2 : index
    %get3A_10 = arith.constant 0 : index
    %get3A_11 = arith.constant 0 : index
    %get3A_12 = vector.load %arg1[%get3A_9, %get3A_10, %get3A_11] : memref<3x32x32xf32, #tpu.memory_space<vmem>>, vector<1x32x32xf32>
    %get3A_13 = vector.shape_cast %get3A_12 : vector<1x32x32xf32> to vector<32x32xf32>
    %add3A = arith.addf %get3A_3, %get3A_8 : vector<32x32xf32>
    %mul3A = arith.constant 2.500000e-01 : f32
    %mul3A_14 = vector.broadcast %mul3A : f32 to vector<32x32xf32>
    %mul3A_15 = arith.mulf %add3A, %mul3A_14 : vector<32x32xf32>
    %add3A_16 = arith.addf %get3A_3, %get3A_8 : vector<32x32xf32>
    %add3A_17 = arith.addf %add3A_16, %get3A_13 : vector<32x32xf32>
    %mul3A_18 = arith.constant 2.500000e-01 : f32
    %mul3A_19 = vector.broadcast %mul3A_18 : f32 to vector<32x32xf32>
    %mul3A_20 = arith.mulf %add3A_17, %mul3A_19 : vector<32x32xf32>
    %add3A_21 = arith.addf %get3A_8, %get3A_13 : vector<32x32xf32>
    %mul3A_22 = arith.constant 2.500000e-01 : f32
    %mul3A_23 = vector.broadcast %mul3A_22 : f32 to vector<32x32xf32>
    %mul3A_24 = arith.mulf %add3A_21, %mul3A_23 : vector<32x32xf32>
    %get3A_25 = arith.constant 0 : index
    %get3A_26 = arith.constant 0 : index
    %get3A_27 = vector.load %arg2[%get3A_25, %get3A_26] : memref<1x32xf32, #tpu.memory_space<vmem>>, vector<1x32xf32>
    %mul3A_28 = arith.constant 2.500000e-01 : f32
    %mul3A_29 = vector.broadcast %mul3A_28 : f32 to vector<1x32xf32>
    %mul3A_30 = arith.mulf %get3A_27, %mul3A_29 : vector<1x32xf32>
    %get3A_31 = arith.constant 0 : index
    %get3A_32 = arith.constant 0 : index
    %get3A_33 = arith.constant 0 : index
    %get3A_34 = vector.load %arg0[%get3A_31, %get3A_32, %get3A_33] : memref<4x256x32xf32, #tpu.memory_space<vmem>>, vector<1x256x32xf32>
    %get3A_35 = vector.shape_cast %get3A_34 : vector<1x256x32xf32> to vector<256x32xf32>
    %dot_general3A = arith.constant dense<0.000000e+00> : vector<256x32xf32>
    %dot_general3A_36 = tpu.matmul %get3A_35, %mul3A_15, %dot_general3A {dimension_numbers = #tpu.dot_dimension_numbers<[1], [0], [0], [1], [0, 0, 1, 1], [], []>, transpose_lhs_hint = false} : vector<256x32xf32>, vector<32x32xf32>, vector<256x32xf32> -> vector<256x32xf32>
    %add3A_37 = vector.broadcast %mul3A_30 : vector<1x32xf32> to vector<256x32xf32>
    %add3A_38 = arith.addf %dot_general3A_36, %add3A_37 : vector<256x32xf32>
    %swap3A = arith.constant 0 : index
    %swap3A_39 = arith.constant 0 : index
    %swap3A_40 = vector.load %arg3[%swap3A, %swap3A_39] : memref<1024x32xf32, #tpu.memory_space<vmem>>, vector<256x32xf32>
    tpu.vector_store %arg3[%swap3A, %swap3A_39], %add3A_38 {strides = array<i32>} : memref<1024x32xf32, #tpu.memory_space<vmem>>, vector<256x32xf32>,
    %get3A_41 = arith.constant 1 : index
    %get3A_42 = arith.constant 0 : index
    %get3A_43 = arith.constant 0 : index
    %get3A_44 = vector.load %arg0[%get3A_41, %get3A_42, %get3A_43] : memref<4x256x32xf32, #tpu.memory_space<vmem>>, vector<1x256x32xf32>
    %get3A_45 = vector.shape_cast %get3A_44 : vector<1x256x32xf32> to vector<256x32xf32>
    %dot_general3A_46 = arith.constant dense<0.000000e+00> : vector<256x32xf32>
    %dot_general3A_47 = tpu.matmul %get3A_45, %mul3A_20, %dot_general3A_46 {dimension_numbers = #tpu.dot_dimension_numbers<[1], [0], [0], [1], [0, 0, 1, 1], [], []>, transpose_lhs_hint = false} : vector<256x32xf32>, vector<32x32xf32>, vector<256x32xf32> -> vector<256x32xf32>
    %add3A_48 = vector.broadcast %mul3A_30 : vector<1x32xf32> to vector<256x32xf32>
    %add3A_49 = arith.addf %dot_general3A_47, %add3A_48 : vector<256x32xf32>
    %swap3A_50 = arith.constant 256 : index
    %swap3A_51 = arith.constant 0 : index
    %swap3A_52 = vector.load %arg3[%swap3A_50, %swap3A_51] : memref<1024x32xf32, #tpu.memory_space<vmem>>, vector<256x32xf32>
    tpu.vector_store %arg3[%swap3A_50, %swap3A_51], %add3A_49 {strides = array<i32>} : memref<1024x32xf32, #tpu.memory_space<vmem>>, vector<256x32xf32>,
    %get3A_53 = arith.constant 2 : index
    %get3A_54 = arith.constant 0 : index
    %get3A_55 = arith.constant 0 : index
    %get3A_56 = vector.load %arg0[%get3A_53, %get3A_54, %get3A_55] : memref<4x256x32xf32, #tpu.memory_space<vmem>>, vector<1x256x32xf32>
    %get3A_57 = vector.shape_cast %get3A_56 : vector<1x256x32xf32> to vector<256x32xf32>
    %dot_general3A_58 = arith.constant dense<0.000000e+00> : vector<256x32xf32>
    %dot_general3A_59 = tpu.matmul %get3A_57, %mul3A_20, %dot_general3A_58 {dimension_numbers = #tpu.dot_dimension_numbers<[1], [0], [0], [1], [0, 0, 1, 1], [], []>, transpose_lhs_hint = false} : vector<256x32xf32>, vector<32x32xf32>, vector<256x32xf32> -> vector<256x32xf32>
    %add3A_60 = vector.broadcast %mul3A_30 : vector<1x32xf32> to vector<256x32xf32>
    %add3A_61 = arith.addf %dot_general3A_59, %add3A_60 : vector<256x32xf32>
    %swap3A_62 = arith.constant 512 : index
    %swap3A_63 = arith.constant 0 : index
    %swap3A_64 = vector.load %arg3[%swap3A_62, %swap3A_63] : memref<1024x32xf32, #tpu.memory_space<vmem>>, vector<256x32xf32>
    tpu.vector_store %arg3[%swap3A_62, %swap3A_63], %add3A_61 {strides = array<i32>} : memref<1024x32xf32, #tpu.memory_space<vmem>>, vector<256x32xf32>,
    %get3A_65 = arith.constant 3 : index
    %get3A_66 = arith.constant 0 : index
    %get3A_67 = arith.constant 0 : index
    %get3A_68 = vector.load %arg0[%get3A_65, %get3A_66, %get3A_67] : memref<4x256x32xf32, #tpu.memory_space<vmem>>, vector<1x256x32xf32>
    %get3A_69 = vector.shape_cast %get3A_68 : vector<1x256x32xf32> to vector<256x32xf32>
    %dot_general3A_70 = arith.constant dense<0.000000e+00> : vector<256x32xf32>
    %dot_general3A_71 = tpu.matmul %get3A_69, %mul3A_24, %dot_general3A_70 {dimension_numbers = #tpu.dot_dimension_numbers<[1], [0], [0], [1], [0, 0, 1, 1], [], []>, transpose_lhs_hint = false} : vector<256x32xf32>, vector<32x32xf32>, vector<256x32xf32> -> vector<256x32xf32>
    %add3A_72 = vector.broadcast %mul3A_30 : vector<1x32xf32> to vector<256x32xf32>
    %add3A_73 = arith.addf %dot_general3A_71, %add3A_72 : vector<256x32xf32>
    %swap3A_74 = arith.constant 768 : index
    %swap3A_75 = arith.constant 0 : index
    %swap3A_76 = vector.load %arg3[%swap3A_74, %swap3A_75] : memref<1024x32xf32, #tpu.memory_space<vmem>>, vector<256x32xf32>
    tpu.vector_store %arg3[%swap3A_74, %swap3A_75], %add3A_73 {strides = array<i32>} : memref<1024x32xf32, #tpu.memory_space<vmem>>, vector<256x32xf32>,
    return
  }
}

</mosaic_0001>

<sc_bundles>
// kernel: kernel.4.cloned.1.call-start
scs
__scs_entry_jumppad:
0x0: {  	(pc) =	sbr.rel $0x88, $3  }
0x1: {  	(tag) =	ssettag $0x0;
	lr =	simm.s32 $0x1  }
0x2: {  	[smem:$0x3F9D] =	sst lr;
	_ =	strace $0xD0000000  }
0x3: {  	_ = 	snop  }
0x4: {  	_ = 	snop  }
0x5: {  	_ = 	snop  }
0x6: {  	_ = 	snop  }
0x7: {  	_ = 	snop  }
__scs_overlays_trampoline_lowered:
0x8: {  	[smem:$0x3FAC] =	sst s0  }
0x9: {  	[smem:$0x3FAD] =	sst s1  }
0xa: {  	[smem:$0x3FAE] =	sst s2  }
0xb: {  	[smem:$0x3FAF] =	sst s3  }
0xc: {  	[smem:$0x3FB0] =	sst s4  }
0xd: {  	[smem:$0x3FB1] =	sst s5  }
0xe: {  	[smem:$0x3FB2] =	sst s6  }
0xf: {  	[smem:$0x3FB3] =	sst s7  }
0x10: {  	[smem:$0x3FB4] =	sst s8  }
0x11: {  	[smem:$0x3FB5] =	sst s9;
	s0 =	simm.s32 @!p0 $0x0  }
0x12: {  	s1 =	sld [smem:$0x3F9B];
	s0 =	simm.s32 @p0 $0x1  }
0x13: {  	[smem:$0x3FB6] =	sst s0;
	s0 =	simm.s32 @!p1 $0x0  }
0x14: {  	s2 =	sld [smem:$0x3F9A];
	s0 =	simm.s32 @p1 $0x1  }
0x15: {  	[smem:$0x3FB7] =	sst s0;
	s0 =	simm.s32 @!p2 $0x0  }
0x16: {  	s3 =	sld [smem:$0x3FDB];
	s0 =	simm.s32 @p2 $0x1  }
0x17: {  	s4 =	simm.s32 $0x1BF5;
	[smem:$0x3FB9] =	sst s0  }
0x18: {  	s0 =	sld [smem:$0x3F9C];
	_ =	swait.ge [sflag:s4], $0x0  }
0x19: {  	s7 =	sld [smem:$0x3F9D]  }
0x1a: {  	s8 =	sadd.s32 $0xFFFFE003, lr  }
0x1b: {  	s9 =	sadd.s32 $0xFFFFFEF7, lr;
	s5 =	simm.s32 $0xFFFFFFFF;
	p2 =	slt.u32 s8, $0xFFFFF086  }
0x1c: {  	p1 =	slt.u32 s9, $0xF7A;
	s5 =	simm.s32 @!p2 $0x0  }
0x1d: {  	s5 =	simm.s32 @p1 $0x1;
	p0 =	seq.s32 s7, s2  }
0x1e: {  	s7 =	smul.u32 @!p0 $0xF7A, s2;
	p2 =	seq.s32 @!p0 s5, $0x0  }
0x1f: {  	s9 =	smul.u32 $0xF7A, s1;
	s8 =	simm.s32 @!p0 $0x1BF5;
	p2 =	por !p2, p0  }
0x20: {  	[sflag:s8] =	ssyncset.s32 @!p0 $0xFFFFF086;
	s6 =	sadd.s32 @!p0 s3, s7;
	s7 =	simm.s32 @!p0 $0x108  }
0x21: {  	s3 =	sadd.s32 s3, s9;
	s6 =	sadd.s32 @!p0 $0x88, s6;
	s7 =	simm.s32 @p2 $0x1082  }
0x22: {  	[simem:s7], [sflag:s8] =	dma.local @!p0 [hbm:s6], $0xF7A  }
0x23: {  	s9 =	sor.u32 $0xD0000000, s2;
	s6 =	simm.s32 $0x108;
	_ =	swait.ge @!p0 [sflag:s8], $0x0  }
0x24: {  	s3 =	sadd.s32 $0x88, s3;
	s6 =	simm.s32 @!p1 $0x1082;
	[sflag:s4] =	ssyncset.s32 $0xFFFFF086  }
0x25: {  	[simem:s6], [sflag:s4] =	dma.local [hbm:s3], $0xF7A  }
0x26: {  	[smem:$0x3F9D] =	sst s1;
	(tag) =	ssettag s2;
	_ =	strace s9  }
0x27: {  	s1 =	sld [smem:$0x3FAD]  }
0x28: {  	s2 =	sld [smem:$0x3FAE]  }
0x29: {  	s4 =	sld [smem:$0x3FB0]  }
0x2a: {  	p0 =	seq.s32 s5, $0x0;
	s5 =	sld [smem:$0x3FB1]  }
0x2b: {  	s6 =	sld [smem:$0x3FB2]  }
0x2c: {  	s7 =	sld [smem:$0x3FB3]  }
0x2d: {  	s3 =	simm.s32 $0x108;
	s8 =	sld [smem:$0x3FB4]  }
0x2e: {  	s3 =	simm.s32 @!p0 $0x1082;
	s9 =	sld [smem:$0x3FB5]  }
0x2f: {  	lr =	sadd.s32 s0, s3;
	s0 =	sld [smem:$0x3FAC]  }
0x30: {  	s3 =	sld [smem:$0x3FAF]  }
0x31: {  	[smem:$0x3FB8] =	sst s10  }
0x32: {  	s10 =	sld [smem:$0x3FB6];
	_ =	sdelay $0x3  }
0x33: {  	p0 =	seq.s32 s10, $0x1;
	s10 =	sld [smem:$0x3FB8];
	_ =	sdelay $0x3  }
0x34: {  	[smem:$0x3FB8] =	sst s10  }
0x35: {  	s10 =	sld [smem:$0x3FB7];
	_ =	sdelay $0x3  }
0x36: {  	p1 =	seq.s32 s10, $0x1;
	s10 =	sld [smem:$0x3FB8];
	_ =	sdelay $0x3  }
0x37: {  	[smem:$0x3FB8] =	sst s10  }
0x38: {  	s10 =	sld [smem:$0x3FB9]  }
0x39: {  	_ = 	snop;
	(pc) =	sbr.ind lr, $3  }
0x3a: {  	_ = 	snop  }
0x3b: {  	_ = 	snop  }
0x3c: {  	p2 =	seq.s32 s10, $0x1;
	s10 =	sld [smem:$0x3FB8]  }
0x3d: {  	_ =	shalt  }
0x3e: {  	_ =	shalt  }
0x3f: {  	_ =	shalt  }
0x40: {  	_ =	shalt  }
0x41: {  	_ =	shalt  }
0x42: {  	_ =	shalt  }
0x43: {  	_ =	shalt  }
0x44: {  	_ =	shalt  }
0x45: {  	_ =	shalt  }
0x46: {  	_ =	shalt  }
0x47: {  	_ =	shalt  }
0x48: {  	_ =	shalt  }
0x49: {  	_ =	shalt  }
0x4a: {  	_ =	shalt  }
0x4b: {  	_ =	shalt  }
0x4c: {  	_ =	shalt  }
0x4d: {  	_ =	shalt  }
0x4e: {  	_ =	shalt  }
0x4f: {  	_ =	shalt  }
0x50: {  	_ =	shalt  }
0x51: {  	_ =	shalt  }
0x52: {  	_ =	shalt  }
0x53: {  	_ =	shalt  }
0x54: {  	_ =	shalt  }
0x55: {  	_ =	shalt  }
0x56: {  	_ =	shalt  }
0x57: {  	_ =	shalt  }
0x58: {  	_ =	shalt  }
0x59: {  	_ =	shalt  }
0x5a: {  	_ =	shalt  }
0x5b: {  	_ =	shalt  }
0x5c: {  	_ =	shalt  }
0x5d: {  	_ =	shalt  }
0x5e: {  	_ =	shalt  }
0x5f: {  	_ =	shalt  }
0x60: {  	_ =	shalt  }
0x61: {  	_ =	shalt  }
0x62: {  	_ =	shalt  }
0x63: {  	_ =	shalt  }
0x64: {  	_ =	shalt  }
0x65: {  	_ =	shalt  }
0x66: {  	_ =	shalt  }
0x67: {  	_ =	shalt  }
0x68: {  	_ =	shalt  }
0x69: {  	_ =	shalt  }
0x6a: {  	_ =	shalt  }
0x6b: {  	_ =	shalt  }
0x6c: {  	_ =	shalt  }
0x6d: {  	_ =	shalt  }
0x6e: {  	_ =	shalt  }
0x6f: {  	_ =	shalt  }
0x70: {  	_ =	shalt  }
0x71: {  	_ =	shalt  }
0x72: {  	_ =	shalt  }
0x73: {  	_ =	shalt  }
0x74: {  	_ =	shalt  }
0x75: {  	_ =	shalt  }
0x76: {  	_ =	shalt  }
0x77: {  	_ =	shalt  }
0x78: {  	_ =	shalt  }
0x79: {  	_ =	shalt  }
0x7a: {  	_ =	shalt  }
0x7b: {  	_ =	shalt  }
0x7c: {  	_ =	shalt  }
0x7d: {  	_ =	shalt  }
0x7e: {  	_ =	shalt  }
0x7f: {  	_ =	shalt  }
0x80: {  	_ =	shalt  }
0x81: {  	_ =	shalt  }
0x82: {  	_ =	shalt  }
0x83: {  	_ =	shalt  }
0x84: {  	_ =	shalt  }
0x85: {  	_ =	shalt  }
0x86: {  	_ =	shalt  }
0x87: {  	_ =	shalt  }
.Lfunc_end0:
.L_simem_size_0:
called_computation_lowered:
.L_overlay_start_0:
0x88: {  	s2 =	sld [smem:$0x3FD9]  }
0x89: {  	s3 =	sld [smem:$0x3FFE];
	_ =	sdelay $0x1  }
0x8a: {  	s1 =	srdreg.scid  }
0x8b: {  	s0 =	sand.u32 $0x1, s1  }
0x8c: {  	s17 =	sshll.u32 s0, $0xA;
	s2 =	sadd.s32 s3, s2  }
0x8d: {  	s2 =	sadd.s32 s2, s17  }
0x8e: {  	[smem:$0x3FC4] =	sst s2  }
0x8f: {  	_ = 	snop  }
0x90: {  	s2 =	sld [smem:$0x3FD0];
	(tm) =	ssettm $0x1  }
0x91: {  	s18 =	sld [smem:$0x3FFB];
	_ =	sdelay $0x3  }
0x92: {  	_ =	strace s18  }
0x93: {  	s3 =	sld [smem:$0x3FFC];
	_ =	sdelay $0x3  }
0x94: {  	_ =	strace s3  }
0x95: {  	s3 =	sld [smem:$0x3FFD];
	_ =	sdelay $0x3  }
0x96: {  	_ =	strace s3  }
0x97: {  	_ =	strace $0x8FFFFFFF  }
0x98: {  	s19 =	sld [smem:$0x3FDB];
	_ =	sdelay $0x1  }
0x99: {  	s4 =	simm.s32 $_scs_section_size  }
0x9a: {  	s5 =	simm.s32 $_size__tile_overlayer_lowered;
	s6 =	simm.s32 $_tile_overlayer_lowered  }
0x9b: {  	s22 =	simm.s32 $0x1BFF;
	s21 =	sshll.u32 s6, $0x1;
	s3 =	sadd.s32 s4, s19  }
0x9c: {  	s7 =	simm.s32 $0x0;
	s20 =	sshll.u32 s5, $0x1;
	s5 =	sadd.s32 s21, s3  }
0x9d: {  	[timem:s7], [sflag:s22] =	dma.local [hbm:s5], s20  }
0x9e: {  	_ =	swait.ge [sflag:s22], s20  }
0x9f: {  	s4 =	ssub.s32 $0x0, s20;
	[sflag:s22] =	ssyncset.done $0x0  }
0xa0: {  	[sflag:s22] =	ssyncadd.s32 s4;
	_ =	sdelay $0x1  }
0xa1: {  	s23 =	simm.s32 $0x1B8B  }
0xa2: {  	_ =	swait.ge [sflag:s23], $0x1  }
0xa3: {  	[sflag:s23] =	ssyncset.done $0x0  }
0xa4: {  	s25 =	simm.s32 $0x1B8E;
	s24 =	sld [smem:$0x3FFE];
	[sflag:s23] =	ssyncadd.s32 $0xFFFFFFFF  }
0xa5: {  	s26 =	simm.s32 $execute0_lowered;
	[smem:$0x3FD2] =	sst s25  }
0xa6: {  	s5 =	sshll.u32 s26, $0x1;
	_ =	strace $0x80000046;
	[dreg:$0x1] =	wrdreg $0xFFFFFFFF  }
0xa7: {  	s28 =	simm.s32 $_size_execute0_lowered;
	s3 =	sadd.s32 s3, s5;
	[dreg:$0x0] =	wrdreg $0x0  }
0xa8: {  	s5 =	sshll.u32 s28, $0x1;
	[dreg:$0x2] =	wrdreg s3  }
0xa9: {  	[dreg:$0x3] =	wrdreg s5  }
0xaa: {  	[dreg:$0x4] =	wrdreg $0xC0  }
0xab: {  	_ =	task [dreg:s7], $0x5FFFF  }
0xac: {  	[dreg:$0x1] =	wrdreg $0xFFFFFFFF  }
0xad: {  	[dreg:$0x0] =	wrdreg $0x60  }
0xae: {  	[dreg:$0x2] =	wrdreg s24  }
0xaf: {  	[dreg:$0x3] =	wrdreg s2  }
0xb0: {  	[dreg:$0x4] =	wrdreg $0x9  }
0xb1: {  	_ =	task.clear_ibuf [dreg:s7], $0x5FFFF;
	_ =	strace $0x90000046  }
0xb2: {  	s29 =	simm.s32 $0x9;
	_ =	strace $0x80000048  }
0xb3: {  	_ =	swait.ge [sflag:s29], $0x1  }
0xb4: {  	[sflag:s29] =	ssyncadd.s32 $0xFFFFFFFF  }
0xb5: {  	_ =	strace $0x90000048  }
0xb6: {  	_ =	sfence  }
0xb7: {  	s30 =	sld [smem:$0x0];
	_ =	sdelay $0x2  }
0xb8: {  	s31 =	sshll.u32 s1, $0xD;
	s1 =	sshrl.u32 s1, $0x2  }
0xb9: {  	s3 =	sand.u32 $0x4000, s31;
	s1 =	sadd.s32 s1, s30  }
0xba: {  	s0 =	sor.u32 s3, s0;
	s1 =	sshll.u32 s1, $0x11  }
0xbb: {  	s0 =	sor.u32 s1, s0  }
0xbc: {  	s0 =	sadd.s32 $0x8F2B, s0  }
0xbd: {  	[sflag:s0] =	ssyncadd.remote.s32 $0x1  }
0xbe: {  	_ =	sfence.sel $0xFFFF  }
0xbf: {  	[dreg:$0x0] =	wrdreg $0xFFFFFFFF;
	(pc) =	sbr.abs _section_cstart, $3  }
0xc0: {  	[dreg:$0x1] =	wrdreg $0xFFFFFFFF  }
0xc1: {  	_ =	task.clear_ibuf [dreg:s7], $0x2FFFF;
	_ =	strace $0x9FFFFFFF  }
0xc2: {  	(tm) =	ssettm $0x7FFFFFFF  }
0xc3: {  	_ =	shalt  }
tec
execute0_lowered:
.L_overlay_start_1:
0x0: {  	(tag) =	ssettag $0x1  }
0x1: {  	s1 =	srdreg.scid;
	s3 =	rddreg [dreg:$0x0]  }
0x2: {  	s0 =	stileid.u32;
	s5 =	rddreg [dreg:$0x1];
	s9 =	simm.s32 $0x80  }
0x3: {  	s10 =	simm.s32 $0x800;
	s11 =	simm.s32 $0x1000;
	s12 =	simm.s32 $0x880  }
0x4: {  	s13 =	simm.s32 $0x2000;
	s14 =	simm.s32 $0x900;
	s15 =	simm.s32 $0x3000  }
0x5: {  	s16 =	simm.s32 $0x980;
	s17 =	simm.s32 $0x4000;
	s18 =	simm.s32 $0x1  }
0x6: {  	s19 =	simm.s32 $0xA00;
	s20 =	simm.s32 $0xC00;
	s21 =	simm.s32 $0xE00  }
0x7: {  	s22 =	simm.s32 $0xA80;
	s23 =	simm.s32 $0xC80;
	s24 =	simm.s32 $0xE80  }
0x8: {  	s28 =	simm.s32 $0xF00;
	s29 =	simm.s32 $0xB80;
	s1 =	sand.u32 $0x1, s1  }
0x9: {  	s30 =	simm.s32 $0xD80;
	s2 =	sshll.u32 s0, $0xA;
	s4 =	sshll.u32 s1, $0x9  }
0xa: {  	s31 =	simm.s32 $0xF80;
	s1 =	ssub.s32 $0x2, s1;
	s4 =	sor.u32 s4, s2  }
0xb: {  	s2 =	simm.s32 $0x0;
	s8 =	sshrl.u32 s1, $0x1;
	s6 =	sshrl.u32 s4, $0x3  }
0xc: {  	[smem:$0x7FF] =	sst s2;
	s4 =	sshll.u32 s4, $0x2;
	s1 =	ssub.s32 s1, s8  }
0xd: {  	s8 =	simm.s32 $0x600;
	s6 =	sadd.s32 s6, s3;
	s4 =	sadd.s32 s5, s4  }
0xe: {  	_ =	strace $0x80000047;
	s7 =	sadd.s32 $0x600, s6;
	[dreg:$0x7] =	wrdreg s4  }
0xf: {  	s3 =	sadd.s32 $0x2600, s3;
	s25 =	sadd.s32 $0xE00, s6;
	[dreg:$0x3] =	wrdreg s7  }
0x10: {  	s5 =	simm.s32 $0x3;
	s26 =	sadd.s32 $0x1600, s6;
	[dreg:$0x4] =	wrdreg s25  }
0x11: {  	s6 =	sadd.s32 $0x1E00, s6;
	s4 =	smax.u32 s1, $0x1;
	[dreg:$0x5] =	wrdreg s26  }
0x12: {  	s1 =	simm.s32 $0x2;
	[dreg:$0x6] =	wrdreg s6;
	s6 =	simm.s32 $0x200  }
0x13: {  	s7 =	simm.s32 $0x400;
	s25 =	simm.s32 $0xB00;
	s26 =	simm.s32 $0xD00  }
.LBB2_1:
0x14: {  	s0 =	rddreg [dreg:$0x3]  }
0x15: {  	[tilespmem:s2], [sflag:$0x3] =	stream.linear.gather [hbm4b:s0+s2], $0x200, $0x38;
	[tilespmem:$0x5000] =	vst v63  }
0x16: {  	_ =	swait.ge [sflag:s5], $0x200  }
0x17: {  	[sflag:s5] =	ssyncset.done $0x0  }
0x18: {  	s0 =	rddreg [dreg:$0x4];
	[sflag:s5] =	ssyncadd.s32 $0xFFFFFE00  }
0x19: {  	[tilespmem:s6], [sflag:$0x3] =	stream.linear.gather [hbm4b:s0+s2], $0x200, $0x38;
	[tilespmem:$0x5000] =	vst v63  }
0x1a: {  	_ =	swait.ge [sflag:s5], $0x200  }
0x1b: {  	[sflag:s5] =	ssyncset.done $0x0  }
0x1c: {  	s0 =	rddreg [dreg:$0x5];
	[sflag:s5] =	ssyncadd.s32 $0xFFFFFE00  }
0x1d: {  	[tilespmem:s7], [sflag:$0x3] =	stream.linear.gather [hbm4b:s0+s2], $0x200, $0x38;
	[tilespmem:$0x5000] =	vst v63  }
0x1e: {  	_ =	swait.ge [sflag:s5], $0x200  }
0x1f: {  	[sflag:s5] =	ssyncset.done $0x0  }
0x20: {  	s0 =	rddreg [dreg:$0x6];
	[sflag:s5] =	ssyncadd.s32 $0xFFFFFE00  }
0x21: {  	[tilespmem:s8], [sflag:$0x3] =	stream.linear.gather [hbm4b:s0+s2], $0x200, $0x38;
	[tilespmem:$0x5000] =	vst v63  }
0x22: {  	_ =	swait.ge [sflag:s5], $0x200  }
0x23: {  	[sflag:s5] =	ssyncset.done $0x0  }
0x24: {  	[sflag:s5] =	ssyncadd.s32 $0xFFFFFE00  }
0x25: {  	v0 =	vld [tilespmem:$0x0]  }
0x26: {  	v1 =	vld [tilespmem:$0x10]  }
0x27: {  	v2 =	vld [tilespmem:$0x20]  }
0x28: {  	v3 =	vld [tilespmem:$0x30]  }
0x29: {  	v4 =	vld [tilespmem:$0x40]  }
0x2a: {  	v16 =	vld [tilespmem:$0x50];
	[tilespmem:$0x800] =	vst v0  }
0x2b: {  	v17 =	vld [tilespmem:$0x60];
	[tilespmem:$0x810] =	vst v1  }
0x2c: {  	v18 =	vld [tilespmem:$0x70];
	[tilespmem:$0x820] =	vst v2  }
0x2d: {  	v19 =	vld [tilespmem:$0x80];
	[tilespmem:$0x830] =	vst v3  }
0x2e: {  	v20 =	vld [tilespmem:$0x90];
	[tilespmem:$0x840] =	vst v4  }
0x2f: {  	v21 =	vld [tilespmem:$0xA0];
	[tilespmem:$0x850] =	vst v16  }
0x30: {  	v22 =	vld [tilespmem:$0xB0];
	[tilespmem:$0x860] =	vst v17  }
0x31: {  	v23 =	vld [tilespmem:$0xC0];
	[tilespmem:$0x870] =	vst v18  }
0x32: {  	v24 =	vld [tilespmem:$0xD0];
	[tilespmem:$0x880] =	vst v19  }
0x33: {  	v25 =	vld [tilespmem:$0xE0];
	[tilespmem:$0x890] =	vst v20  }
0x34: {  	v26 =	vld [tilespmem:$0xF0];
	[tilespmem:$0x8A0] =	vst v21  }
0x35: {  	v27 =	vld [tilespmem:$0x100];
	[tilespmem:$0x8B0] =	vst v22  }
0x36: {  	v28 =	vld [tilespmem:$0x110];
	[tilespmem:$0x8C0] =	vst v23  }
0x37: {  	v29 =	vld [tilespmem:$0x120];
	[tilespmem:$0x8D0] =	vst v24  }
0x38: {  	v30 =	vld [tilespmem:$0x130];
	[tilespmem:$0x8E0] =	vst v25  }
0x39: {  	v31 =	vld [tilespmem:$0x140];
	[tilespmem:$0x8F0] =	vst v26  }
0x3a: {  	v32 =	vld [tilespmem:$0x150];
	[tilespmem:$0x900] =	vst v27  }
0x3b: {  	v33 =	vld [tilespmem:$0x160];
	[tilespmem:$0x910] =	vst v28  }
0x3c: {  	v34 =	vld [tilespmem:$0x170];
	[tilespmem:$0x920] =	vst v29  }
0x3d: {  	v35 =	vld [tilespmem:$0x180];
	[tilespmem:$0x930] =	vst v30  }
0x3e: {  	v36 =	vld [tilespmem:$0x190];
	[tilespmem:$0x940] =	vst v31  }
0x3f: {  	v37 =	vld [tilespmem:$0x1A0];
	[tilespmem:$0x950] =	vst v32  }
0x40: {  	v38 =	vld [tilespmem:$0x1B0];
	[tilespmem:$0x960] =	vst v33  }
0x41: {  	v39 =	vld [tilespmem:$0x1C0];
	[tilespmem:$0x970] =	vst v34  }
0x42: {  	v40 =	vld [tilespmem:$0x1D0];
	[tilespmem:$0x980] =	vst v35  }
0x43: {  	v41 =	vld [tilespmem:$0x1E0];
	[tilespmem:$0x990] =	vst v36  }
0x44: {  	v42 =	vld [tilespmem:$0x1F0];
	[tilespmem:$0x9A0] =	vst v37  }
0x45: {  	[tilespmem:$0x9B0] =	vst v38  }
0x46: {  	[tilespmem:$0x9C0] =	vst v39  }
0x47: {  	[tilespmem:$0x9D0] =	vst v40  }
0x48: {  	[tilespmem:$0x9E0] =	vst v41  }
0x49: {  	[tilespmem:$0x9F0] =	vst v42  }
0x4a: {  	[tilespmem:s11], [sflag:$0x1] =	stream.indirect.gather [hbm4b:s3+s9], $0x20, s10, s9, $0xb8;
	[tilespmem:$0x5000] =	vst v63  }
0x4b: {  	_ = 	snop  }
0x4c: {  	[tilespmem:s13], [sflag:$0x1] =	stream.indirect.gather [hbm4b:s3+s9], $0x20, s12, s9, $0xb8;
	[tilespmem:$0x5000] =	vst v63  }
0x4d: {  	_ = 	snop  }
0x4e: {  	[tilespmem:s15], [sflag:$0x1] =	stream.indirect.gather [hbm4b:s3+s9], $0x20, s14, s9, $0xb8;
	[tilespmem:$0x5000] =	vst v63  }
0x4f: {  	_ = 	snop  }
0x50: {  	[tilespmem:s17], [sflag:$0x1] =	stream.indirect.gather [hbm4b:s3+s9], $0x20, s16, s9, $0xb8;
	[tilespmem:$0x5000] =	vst v63  }
0x51: {  	v43 =	vld [tilespmem:$0x200]  }
0x52: {  	v44 =	vld [tilespmem:$0x210]  }
0x53: {  	v45 =	vld [tilespmem:$0x220]  }
0x54: {  	v46 =	vld [tilespmem:$0x230]  }
0x55: {  	v47 =	vld [tilespmem:$0x240]  }
0x56: {  	v5 =	vld [tilespmem:$0x250];
	v0 =	vadd.s32 $0x100, v43  }
0x57: {  	v49 =	vld [tilespmem:$0x260];
	v48 =	vadd.s32 $0x100, v44;
	[tilespmem:$0xA00] =	vst v0  }
0x58: {  	v51 =	vld [tilespmem:$0x270];
	v50 =	vadd.s32 $0x100, v45;
	[tilespmem:$0xA10] =	vst v48  }
0x59: {  	v53 =	vld [tilespmem:$0x280];
	v52 =	vadd.s32 $0x100, v46;
	[tilespmem:$0xA20] =	vst v50  }
0x5a: {  	v55 =	vld [tilespmem:$0x290];
	v54 =	vadd.s32 $0x100, v47;
	[tilespmem:$0xA30] =	vst v52  }
0x5b: {  	v57 =	vld [tilespmem:$0x2A0];
	v56 =	vadd.s32 $0x100, v5;
	[tilespmem:$0xA40] =	vst v54  }
0x5c: {  	v59 =	vld [tilespmem:$0x2B0];
	v58 =	vadd.s32 $0x100, v49;
	[tilespmem:$0xA50] =	vst v56  }
0x5d: {  	v61 =	vld [tilespmem:$0x2C0];
	v60 =	vadd.s32 $0x100, v51;
	[tilespmem:$0xA60] =	vst v58  }
0x5e: {  	v63 =	vld [tilespmem:$0x2D0];
	v62 =	vadd.s32 $0x100, v53;
	[tilespmem:$0xA70] =	vst v60  }
0x5f: {  	v9 =	vld [tilespmem:$0x2E0];
	v8 =	vadd.s32 $0x100, v55;
	[tilespmem:$0xA80] =	vst v62  }
0x60: {  	v11 =	vld [tilespmem:$0x2F0];
	v10 =	vadd.s32 $0x100, v57;
	[tilespmem:$0xA90] =	vst v8  }
0x61: {  	v13 =	vld [tilespmem:$0x300];
	v12 =	vadd.s32 $0x100, v59;
	[tilespmem:$0xAA0] =	vst v10  }
0x62: {  	v15 =	vld [tilespmem:$0x310];
	v14 =	vadd.s32 $0x100, v61;
	[tilespmem:$0xAB0] =	vst v12  }
0x63: {  	v17 =	vld [tilespmem:$0x320];
	v16 =	vadd.s32 $0x100, v63;
	[tilespmem:$0xAC0] =	vst v14  }
0x64: {  	v19 =	vld [tilespmem:$0x330];
	v18 =	vadd.s32 $0x100, v9;
	[tilespmem:$0xAD0] =	vst v16  }
0x65: {  	v21 =	vld [tilespmem:$0x340];
	v20 =	vadd.s32 $0x100, v11;
	[tilespmem:$0xAE0] =	vst v18  }
0x66: {  	v23 =	vld [tilespmem:$0x350];
	v22 =	vadd.s32 $0x100, v13;
	[tilespmem:$0xAF0] =	vst v20  }
0x67: {  	v25 =	vld [tilespmem:$0x360];
	v24 =	vadd.s32 $0x100, v15;
	[tilespmem:$0xB00] =	vst v22  }
0x68: {  	v27 =	vld [tilespmem:$0x370];
	v26 =	vadd.s32 $0x100, v17;
	[tilespmem:$0xB10] =	vst v24  }
0x69: {  	v29 =	vld [tilespmem:$0x380];
	v28 =	vadd.s32 $0x100, v19;
	[tilespmem:$0xB20] =	vst v26  }
0x6a: {  	v31 =	vld [tilespmem:$0x390];
	v30 =	vadd.s32 $0x100, v21;
	[tilespmem:$0xB30] =	vst v28  }
0x6b: {  	v33 =	vld [tilespmem:$0x3A0];
	v32 =	vadd.s32 $0x100, v23;
	[tilespmem:$0xB40] =	vst v30  }
0x6c: {  	v35 =	vld [tilespmem:$0x3B0];
	v34 =	vadd.s32 $0x100, v25;
	[tilespmem:$0xB50] =	vst v32  }
0x6d: {  	v37 =	vld [tilespmem:$0x3C0];
	v36 =	vadd.s32 $0x100, v27;
	[tilespmem:$0xB60] =	vst v34  }
0x6e: {  	v39 =	vld [tilespmem:$0x3D0];
	v38 =	vadd.s32 $0x100, v29;
	[tilespmem:$0xB70] =	vst v36  }
0x6f: {  	v41 =	vld [tilespmem:$0x3E0];
	v40 =	vadd.s32 $0x100, v31;
	[tilespmem:$0xB80] =	vst v38  }
0x70: {  	v42 =	vadd.s32 $0x100, v33;
	v43 =	vld [tilespmem:$0x3F0];
	[tilespmem:$0xB90] =	vst v40  }
0x71: {  	v44 =	vadd.s32 $0x100, v35;
	v45 =	vld [tilespmem:$0x400];
	[tilespmem:$0xBA0] =	vst v42  }
0x72: {  	v46 =	vadd.s32 $0x100, v37;
	v47 =	vld [tilespmem:$0x410];
	[tilespmem:$0xBB0] =	vst v44  }
0x73: {  	v49 =	vld [tilespmem:$0x420];
	[tilespmem:$0xBC0] =	vst v46;
	v48 =	vadd.s32 $0x100, v39  }
0x74: {  	v51 =	vld [tilespmem:$0x430];
	v50 =	vadd.s32 $0x100, v41;
	[tilespmem:$0xBD0] =	vst v48  }
0x75: {  	v53 =	vld [tilespmem:$0x440];
	[tilespmem:$0xBE0] =	vst v50;
	v52 =	vadd.s32 $0x100, v43  }
0x76: {  	v55 =	vld [tilespmem:$0x450];
	v54 =	vadd.s32 $0x200, v45;
	[tilespmem:$0xBF0] =	vst v52  }
0x77: {  	v57 =	vld [tilespmem:$0x460];
	v56 =	vadd.s32 $0x200, v47;
	[tilespmem:$0xC00] =	vst v54  }
0x78: {  	v59 =	vld [tilespmem:$0x470];
	v58 =	vadd.s32 $0x200, v49;
	[tilespmem:$0xC10] =	vst v56  }
0x79: {  	v61 =	vld [tilespmem:$0x480];
	v60 =	vadd.s32 $0x200, v51;
	[tilespmem:$0xC20] =	vst v58  }
0x7a: {  	v63 =	vld [tilespmem:$0x490];
	v62 =	vadd.s32 $0x200, v53;
	[tilespmem:$0xC30] =	vst v60  }
0x7b: {  	v8 =	vld [tilespmem:$0x4A0];
	v7 =	vadd.s32 $0x200, v55;
	[tilespmem:$0xC40] =	vst v62  }
0x7c: {  	v10 =	vld [tilespmem:$0x4B0];
	v9 =	vadd.s32 $0x200, v57;
	[tilespmem:$0xC50] =	vst v7  }
0x7d: {  	v12 =	vld [tilespmem:$0x4C0];
	v11 =	vadd.s32 $0x200, v59;
	[tilespmem:$0xC60] =	vst v9  }
0x7e: {  	v14 =	vld [tilespmem:$0x4D0];
	v13 =	vadd.s32 $0x200, v61;
	[tilespmem:$0xC70] =	vst v11  }
0x7f: {  	v16 =	vld [tilespmem:$0x4E0];
	v15 =	vadd.s32 $0x200, v63;
	[tilespmem:$0xC80] =	vst v13  }
0x80: {  	v18 =	vld [tilespmem:$0x4F0];
	[tilespmem:$0xC90] =	vst v15;
	v17 =	vadd.s32 $0x200, v8  }
0x81: {  	v20 =	vld [tilespmem:$0x500];
	v19 =	vadd.s32 $0x200, v10;
	[tilespmem:$0xCA0] =	vst v17  }
0x82: {  	v22 =	vld [tilespmem:$0x510];
	v21 =	vadd.s32 $0x200, v12;
	[tilespmem:$0xCB0] =	vst v19  }
0x83: {  	v24 =	vld [tilespmem:$0x520];
	v23 =	vadd.s32 $0x200, v14;
	[tilespmem:$0xCC0] =	vst v21  }
0x84: {  	v26 =	vld [tilespmem:$0x530];
	v25 =	vadd.s32 $0x200, v16;
	[tilespmem:$0xCD0] =	vst v23  }
0x85: {  	v28 =	vld [tilespmem:$0x540];
	v27 =	vadd.s32 $0x200, v18;
	[tilespmem:$0xCE0] =	vst v25  }
0x86: {  	v30 =	vld [tilespmem:$0x550];
	v29 =	vadd.s32 $0x200, v20;
	[tilespmem:$0xCF0] =	vst v27  }
0x87: {  	v32 =	vld [tilespmem:$0x560];
	v31 =	vadd.s32 $0x200, v22;
	[tilespmem:$0xD00] =	vst v29  }
0x88: {  	v34 =	vld [tilespmem:$0x570];
	v33 =	vadd.s32 $0x200, v24;
	[tilespmem:$0xD10] =	vst v31  }
0x89: {  	v36 =	vld [tilespmem:$0x580];
	v35 =	vadd.s32 $0x200, v26;
	[tilespmem:$0xD20] =	vst v33  }
0x8a: {  	v38 =	vld [tilespmem:$0x590];
	v37 =	vadd.s32 $0x200, v28;
	[tilespmem:$0xD30] =	vst v35  }
0x8b: {  	v40 =	vld [tilespmem:$0x5A0];
	v39 =	vadd.s32 $0x200, v30;
	[tilespmem:$0xD40] =	vst v37  }
0x8c: {  	v42 =	vld [tilespmem:$0x5B0];
	v41 =	vadd.s32 $0x200, v32;
	[tilespmem:$0xD50] =	vst v39  }
0x8d: {  	v44 =	vld [tilespmem:$0x5C0];
	v43 =	vadd.s32 $0x200, v34;
	[tilespmem:$0xD60] =	vst v41  }
0x8e: {  	v46 =	vld [tilespmem:$0x5D0];
	v45 =	vadd.s32 $0x200, v36;
	[tilespmem:$0xD70] =	vst v43  }
0x8f: {  	v48 =	vld [tilespmem:$0x5E0];
	v47 =	vadd.s32 $0x200, v38;
	[tilespmem:$0xD80] =	vst v45  }
0x90: {  	v50 =	vld [tilespmem:$0x5F0];
	v49 =	vadd.s32 $0x200, v40;
	[tilespmem:$0xD90] =	vst v47  }
0x91: {  	v51 =	vadd.s32 $0x200, v42;
	v52 =	vld [tilespmem:$0x600];
	[tilespmem:$0xDA0] =	vst v49  }
0x92: {  	v53 =	vadd.s32 $0x200, v44;
	v54 =	vld [tilespmem:$0x610];
	[tilespmem:$0xDB0] =	vst v51  }
0x93: {  	v55 =	vadd.s32 $0x200, v46;
	v56 =	vld [tilespmem:$0x620];
	[tilespmem:$0xDC0] =	vst v53  }
0x94: {  	v58 =	vld [tilespmem:$0x630];
	[tilespmem:$0xDD0] =	vst v55;
	v57 =	vadd.s32 $0x200, v48  }
0x95: {  	v60 =	vld [tilespmem:$0x640];
	v59 =	vadd.s32 $0x200, v50;
	[tilespmem:$0xDE0] =	vst v57  }
0x96: {  	v62 =	vld [tilespmem:$0x650];
	[tilespmem:$0xDF0] =	vst v59;
	v61 =	vadd.s32 $0x300, v52  }
0x97: {  	v8 =	vld [tilespmem:$0x660];
	v63 =	vadd.s32 $0x300, v54;
	[tilespmem:$0xE00] =	vst v61  }
0x98: {  	v10 =	vld [tilespmem:$0x670];
	v9 =	vadd.s32 $0x300, v56;
	[tilespmem:$0xE10] =	vst v63  }
0x99: {  	v12 =	vld [tilespmem:$0x680];
	v11 =	vadd.s32 $0x300, v58;
	[tilespmem:$0xE20] =	vst v9  }
0x9a: {  	v14 =	vld [tilespmem:$0x690];
	v13 =	vadd.s32 $0x300, v60;
	[tilespmem:$0xE30] =	vst v11  }
0x9b: {  	v16 =	vld [tilespmem:$0x6A0];
	v15 =	vadd.s32 $0x300, v62;
	[tilespmem:$0xE40] =	vst v13  }
0x9c: {  	v18 =	vld [tilespmem:$0x6B0];
	v17 =	vadd.s32 $0x300, v8;
	[tilespmem:$0xE50] =	vst v15  }
0x9d: {  	v20 =	vld [tilespmem:$0x6C0];
	v19 =	vadd.s32 $0x300, v10;
	[tilespmem:$0xE60] =	vst v17  }
0x9e: {  	v22 =	vld [tilespmem:$0x6D0];
	v21 =	vadd.s32 $0x300, v12;
	[tilespmem:$0xE70] =	vst v19  }
0x9f: {  	v24 =	vld [tilespmem:$0x6E0];
	v23 =	vadd.s32 $0x300, v14;
	[tilespmem:$0xE80] =	vst v21  }
0xa0: {  	v26 =	vld [tilespmem:$0x6F0];
	v25 =	vadd.s32 $0x300, v16;
	[tilespmem:$0xE90] =	vst v23  }
0xa1: {  	v28 =	vld [tilespmem:$0x700];
	v27 =	vadd.s32 $0x300, v18;
	[tilespmem:$0xEA0] =	vst v25  }
0xa2: {  	v30 =	vld [tilespmem:$0x710];
	v29 =	vadd.s32 $0x300, v20;
	[tilespmem:$0xEB0] =	vst v27  }
0xa3: {  	v32 =	vld [tilespmem:$0x720];
	v31 =	vadd.s32 $0x300, v22;
	[tilespmem:$0xEC0] =	vst v29  }
0xa4: {  	v34 =	vld [tilespmem:$0x730];
	v33 =	vadd.s32 $0x300, v24;
	[tilespmem:$0xED0] =	vst v31  }
0xa5: {  	v36 =	vld [tilespmem:$0x740];
	v35 =	vadd.s32 $0x300, v26;
	[tilespmem:$0xEE0] =	vst v33  }
0xa6: {  	v38 =	vld [tilespmem:$0x750];
	v37 =	vadd.s32 $0x300, v28;
	[tilespmem:$0xEF0] =	vst v35  }
0xa7: {  	v40 =	vld [tilespmem:$0x760];
	v39 =	vadd.s32 $0x300, v30;
	[tilespmem:$0xF00] =	vst v37  }
0xa8: {  	v42 =	vld [tilespmem:$0x770];
	v41 =	vadd.s32 $0x300, v32;
	[tilespmem:$0xF10] =	vst v39  }
0xa9: {  	v44 =	vld [tilespmem:$0x780];
	v43 =	vadd.s32 $0x300, v34;
	[tilespmem:$0xF20] =	vst v41  }
0xaa: {  	v46 =	vld [tilespmem:$0x790];
	v45 =	vadd.s32 $0x300, v36;
	[tilespmem:$0xF30] =	vst v43  }
0xab: {  	v48 =	vld [tilespmem:$0x7A0];
	v47 =	vadd.s32 $0x300, v38;
	[tilespmem:$0xF40] =	vst v45  }
0xac: {  	v50 =	vld [tilespmem:$0x7B0];
	v49 =	vadd.s32 $0x300, v40;
	[tilespmem:$0xF50] =	vst v47  }
0xad: {  	v51 =	vadd.s32 $0x300, v42;
	v52 =	vld [tilespmem:$0x7C0];
	[tilespmem:$0xF60] =	vst v49  }
0xae: {  	v53 =	vadd.s32 $0x300, v44;
	v54 =	vld [tilespmem:$0x7D0];
	[tilespmem:$0xF70] =	vst v51  }
0xaf: {  	v55 =	vadd.s32 $0x300, v46;
	v56 =	vld [tilespmem:$0x7E0];
	[tilespmem:$0xF80] =	vst v53  }
0xb0: {  	v58 =	vld [tilespmem:$0x7F0];
	[tilespmem:$0xF90] =	vst v55;
	v57 =	vadd.s32 $0x300, v48  }
0xb1: {  	v59 =	vadd.s32 $0x300, v50;
	[tilespmem:$0xFA0] =	vst v57  }
0xb2: {  	[tilespmem:$0xFB0] =	vst v59;
	v60 =	vadd.s32 $0x300, v52  }
0xb3: {  	v61 =	vadd.s32 $0x300, v54;
	[tilespmem:$0xFC0] =	vst v60  }
0xb4: {  	v62 =	vadd.s32 $0x300, v56;
	[tilespmem:$0xFD0] =	vst v61  }
0xb5: {  	v63 =	vadd.s32 $0x300, v58;
	[tilespmem:$0xFE0] =	vst v62  }
0xb6: {  	[tilespmem:$0xFF0] =	vst v63  }
0xb7: {  	_ =	swait.ge [sflag:s18], $0x1000  }
0xb8: {  	[sflag:s18] =	ssyncset.done $0x0  }
0xb9: {  	[sflag:s18] =	ssyncadd.s32 $0xFFFFF000  }
0xba: {  	[tilespmem:s11], [sflag:$0x2] =	stream.indirect.gather.add.f32 [hbm:s3], $0x20, s19, s9, $0xb8;
	[tilespmem:$0x5000] =	vst v63  }
0xbb: {  	_ = 	snop  }
0xbc: {  	[tilespmem:s11], [sflag:$0x2] =	stream.indirect.gather.add.f32 [hbm:s3], $0x20, s20, s9, $0xb8;
	[tilespmem:$0x5000] =	vst v63  }
0xbd: {  	_ = 	snop  }
0xbe: {  	[tilespmem:s11], [sflag:$0x2] =	stream.indirect.gather.add.f32 [hbm:s3], $0x20, s21, s9, $0xb8;
	[tilespmem:$0x5000] =	vst v63  }
0xbf: {  	_ =	swait.ge [sflag:s18], $0x1000  }
0xc0: {  	[sflag:s18] =	ssyncset.done $0x0  }
0xc1: {  	[sflag:s18] =	ssyncadd.s32 $0xFFFFF000  }
0xc2: {  	[tilespmem:s13], [sflag:$0x2] =	stream.indirect.gather.add.f32 [hbm:s3], $0x20, s22, s9, $0xb8;
	[tilespmem:$0x5000] =	vst v63  }
0xc3: {  	_ = 	snop  }
0xc4: {  	[tilespmem:s13], [sflag:$0x2] =	stream.indirect.gather.add.f32 [hbm:s3], $0x20, s23, s9, $0xb8;
	[tilespmem:$0x5000] =	vst v63  }
0xc5: {  	_ = 	snop  }
0xc6: {  	[tilespmem:s13], [sflag:$0x2] =	stream.indirect.gather.add.f32 [hbm:s3], $0x20, s24, s9, $0xb8;
	[tilespmem:$0x5000] =	vst v63  }
0xc7: {  	_ =	swait.ge [sflag:s18], $0x1000  }
0xc8: {  	[sflag:s18] =	ssyncset.done $0x0  }
0xc9: {  	[sflag:s18] =	ssyncadd.s32 $0xFFFFF000  }
0xca: {  	[tilespmem:s15], [sflag:$0x2] =	stream.indirect.gather.add.f32 [hbm:s3], $0x20, s25, s9, $0xb8;
	[tilespmem:$0x5000] =	vst v63  }
0xcb: {  	_ = 	snop  }
0xcc: {  	[tilespmem:s15], [sflag:$0x2] =	stream.indirect.gather.add.f32 [hbm:s3], $0x20, s26, s9, $0xb8;
	[tilespmem:$0x5000] =	vst v63  }
0xcd: {  	_ = 	snop  }
0xce: {  	[tilespmem:s15], [sflag:$0x2] =	stream.indirect.gather.add.f32 [hbm:s3], $0x20, s28, s9, $0xb8;
	[tilespmem:$0x5000] =	vst v63  }
0xcf: {  	_ =	swait.ge [sflag:s18], $0x1000  }
0xd0: {  	[sflag:s18] =	ssyncset.done $0x0  }
0xd1: {  	[sflag:s18] =	ssyncadd.s32 $0xFFFFF000  }
0xd2: {  	[tilespmem:s17], [sflag:$0x2] =	stream.indirect.gather.add.f32 [hbm:s3], $0x20, s29, s9, $0xb8;
	[tilespmem:$0x5000] =	vst v63  }
0xd3: {  	_ = 	snop  }
0xd4: {  	[tilespmem:s17], [sflag:$0x2] =	stream.indirect.gather.add.f32 [hbm:s3], $0x20, s30, s9, $0xb8;
	[tilespmem:$0x5000] =	vst v63  }
0xd5: {  	_ = 	snop  }
0xd6: {  	[tilespmem:s17], [sflag:$0x2] =	stream.indirect.gather.add.f32 [hbm:s3], $0x20, s31, s9, $0xb8;
	[tilespmem:$0x5000] =	vst v63  }
0xd7: {  	_ =	swait.ge [sflag:s1], $0x1000  }
0xd8: {  	[sflag:s1] =	ssyncset.done $0x0  }
0xd9: {  	[sflag:s1] =	ssyncadd.s32 $0xFFFFF000  }
0xda: {  	_ =	swait.ge [sflag:s1], $0x1000  }
0xdb: {  	[sflag:s1] =	ssyncset.done $0x0  }
0xdc: {  	[sflag:s1] =	ssyncadd.s32 $0xFFFFF000  }
0xdd: {  	_ =	swait.ge [sflag:s1], $0x1000  }
0xde: {  	[sflag:s1] =	ssyncset.done $0x0  }
0xdf: {  	[sflag:s1] =	ssyncadd.s32 $0xFFFFF000  }
0xe0: {  	_ =	swait.ge [sflag:s1], $0x1000  }
0xe1: {  	[sflag:s1] =	ssyncset.done $0x0  }
0xe2: {  	[sflag:s1] =	ssyncadd.s32 $0xFFFFF000  }
0xe3: {  	_ =	swait.ge [sflag:s1], $0x1000  }
0xe4: {  	[sflag:s1] =	ssyncset.done $0x0  }
0xe5: {  	[sflag:s1] =	ssyncadd.s32 $0xFFFFF000  }
0xe6: {  	_ =	swait.ge [sflag:s1], $0x1000  }
0xe7: {  	[sflag:s1] =	ssyncset.done $0x0  }
0xe8: {  	[sflag:s1] =	ssyncadd.s32 $0xFFFFF000  }
0xe9: {  	_ =	swait.ge [sflag:s1], $0x1000  }
0xea: {  	[sflag:s1] =	ssyncset.done $0x0  }
0xeb: {  	[sflag:s1] =	ssyncadd.s32 $0xFFFFF000  }
0xec: {  	_ =	swait.ge [sflag:s1], $0x1000  }
0xed: {  	[sflag:s1] =	ssyncset.done $0x0  }
0xee: {  	[sflag:s1] =	ssyncadd.s32 $0xFFFFF000  }
0xef: {  	_ =	swait.ge [sflag:s1], $0x1000  }
0xf0: {  	[sflag:s1] =	ssyncset.done $0x0  }
0xf1: {  	[sflag:s1] =	ssyncadd.s32 $0xFFFFF000  }
0xf2: {  	_ =	swait.ge [sflag:s1], $0x1000  }
0xf3: {  	[sflag:s1] =	ssyncset.done $0x0  }
0xf4: {  	[sflag:s1] =	ssyncadd.s32 $0xFFFFF000  }
0xf5: {  	_ =	swait.ge [sflag:s1], $0x1000  }
0xf6: {  	[sflag:s1] =	ssyncset.done $0x0  }
0xf7: {  	[sflag:s1] =	ssyncadd.s32 $0xFFFFF000  }
0xf8: {  	_ =	swait.ge [sflag:s1], $0x1000  }
0xf9: {  	p0 =	sne.s32 s4, $0x1;
	[sflag:s1] =	ssyncset.done $0x0  }
.Ltmp0:
0xfa: {  	s0 =	rddreg [dreg:$0x7];
	[sflag:s1] =	ssyncadd.s32 $0xFFFFF000;
	(pc) =	sbr.rel @p0 .LBB2_1-.Ltmp0, $4  }
0xfb: {  	[hbm4b:s0+s2] =	stream.linear.scatter [tilespmem:s11], [sflag:$0x3], $0x4000, $0x38;
	[tilespmem:$0x5000] =	vst v63  }
0xfc: {  	_ =	swait.ge [sflag:s5], $0x4000  }
0xfd: {  	[sflag:s5] =	ssyncset.done $0x0  }
0xfe: {  	s4 =	sadd.s32 $0xFFFFFFFF, s4;
	[sflag:s5] =	ssyncadd.s32 $0xFFFFC000  }
0xff: {  	_ =	sfence.sel $0x180000  }
0x100: {  	[bflag:$0x0] =	sbarrier.arrive $0xFFFF  }
0x101: {  	_ =	strace $0x90000047  }
0x102: {  	s0 =	stileid.u32;
	[bflag:$0x2] =	sbarrier.arrive $0xFFFF  }
0x103: {  	p0 =	sne.s32 s0, $0x0;
	s0 =	rddreg [dreg:$0x2]  }
0x104: {  	s0 =	sadd.s32 @!p0 $0x100000, s0  }
0x105: {  	[sflag:s0] =	ssyncadd.tile.s32 @!p0 $0x1;
	_ =	shalt  }
.Lfunc_end2:
_tile_overlayer_lowered:
.L_overlay_start_2:
0x106: {  	(tag) =	ssettag $0x2  }
0x107: {  	s0 =	rddreg [dreg:$0x0];
	s2 =	stileid.u32  }
0x108: {  	s1 =	rddreg [dreg:$0x1];
	p0 =	sne.s32 s2, $0x0  }
0x109: {  	s3 =	rddreg [dreg:$0x2];
	[bflag:$0x3] =	sbarrier.arrive $0xFFFF;
	s2 =	simm.s32 @!p0 $0x1C03  }
0x10a: {  	[timem:s3], [sflag:s2] =	dma.local @!p0 [hbm:s0], s1  }
0x10b: {  	s0 =	simm.s32 @!p0 $0x3  }
0x10c: {  	_ =	swait.ge @!p0 [sflag:s0], s1  }
0x10d: {  	s1 =	ssub.s32 @!p0 $0x0, s1;
	[sflag:s0] =	ssyncset.done @!p0 $0x0  }
0x10e: {  	[sflag:s0] =	ssyncadd.s32 @!p0 s1  }
0x10f: {  	[bflag:$0x3] =	sbarrier.arrive $0xFFFF  }
0x110: {  	_ =	shalt  }

</sc_bundles>
